<compile_context>
chip_gen: v7x
topology: tpu7x:2x2x1
jax: 0.10.2.dev20260603
libtpu: 0.0.44.dev20260713+nightly
codegen_flags: <defaults>
</compile_context>

<pallas_src>
import functools

import jax
import jax.numpy as jnp
from jax import lax
from jax.experimental import pallas as pl
from jax.experimental.pallas import tpu as pltpu
from jax.experimental.pallas import tpu_sc as plsc

SDF_MIN = -7.0
SDF_MAX = 7.0
N_BINS = 256

_NC = 2
_NS = 16
_NW = _NC * _NS
_LANES = 16
_CHUNK = 16384


def _wse_partials(y_pred_flat, y_true_flat, lut, n_sc):
    n = y_pred_flat.shape[0]
    per_w = n_sc // _NW
    assert per_w % _CHUNK == 0 and (per_w // _CHUNK) % 2 == 0
    n_chunks = per_w // _CHUNK
    mesh = plsc.VectorSubcoreMesh(core_axis_name="c", subcore_axis_name="s")

    @functools.partial(
        pl.kernel,
        mesh=mesh,
        out_type=jax.ShapeDtypeStruct((_NW, _LANES), jnp.float32),
        scratch_types=[
            pltpu.VMEM((N_BINS,), jnp.float32),
            pltpu.VMEM((_CHUNK,), jnp.float32),
            pltpu.VMEM((_CHUNK,), jnp.float32),
            pltpu.VMEM((_CHUNK,), jnp.float32),
            pltpu.VMEM((_CHUNK,), jnp.float32),
            pltpu.VMEM((_LANES,), jnp.float32),
            pltpu.SemaphoreType.DMA,
            pltpu.SemaphoreType.DMA,
            pltpu.SemaphoreType.DMA,
            pltpu.SemaphoreType.DMA,
        ],
        compiler_params=pltpu.CompilerParams(needs_layout_passes=False),
    )
    def k(pred_hbm, true_hbm, lut_hbm, out_hbm,
          lut_v, pred0, true0, pred1, true1, acc_v, sp0, st0, sp1, st1):
        wid = lax.axis_index("s") * _NC + lax.axis_index("c")
        base = wid * per_w
        pltpu.sync_copy(lut_hbm, lut_v)

        off_cap = n - _CHUNK
        scale = 1.0 / (SDF_MAX - SDF_MIN)

        def issue(pred_v, true_v, sp, st, off):
            pltpu.async_copy(pred_hbm.at[pl.ds(off, _CHUNK)], pred_v, sp)
            pltpu.async_copy(true_hbm.at[pl.ds(off, _CHUNK)], true_v, st)

        def wait(pred_v, true_v, sp, st):
            pltpu.make_async_copy(pred_hbm.at[pl.ds(0, _CHUNK)], pred_v, sp).wait()
            pltpu.make_async_copy(true_hbm.at[pl.ds(0, _CHUNK)], true_v, st).wait()

        bin_a = float(N_BINS - 1) * scale
        bin_b = -SDF_MIN * float(N_BINS - 1) * scale + 0.5

        def compute(pred_v, true_v, accs):
            def one(v, acc):
                t = true_v[pl.ds(v, _LANES)]
                p = pred_v[pl.ds(v, _LANES)]
                c = jnp.minimum(jnp.maximum(t, SDF_MIN), SDF_MAX)
                idx = (c * bin_a + bin_b).astype(jnp.int32)
                w = plsc.load_gather(lut_v, [idx])
                d = p - t
                return acc + w * d * d

            @plsc.parallel_loop(0, _CHUNK, step=4 * _LANES, unroll=4,
                                carry=accs)
            def body(v, accs):
                return tuple(one(v + j * _LANES, a)
                             for j, a in enumerate(accs))

            return body

        issue(pred0, true0, sp0, st0, base)

        def body(i, accs):
            g0 = 2 * i
            issue(pred1, true1, sp1, st1, base + (g0 + 1) * _CHUNK)
            wait(pred0, true0, sp0, st0)
            accs = compute(pred0, true0, accs)
            off2 = jnp.minimum(base + (g0 + 2) * _CHUNK, off_cap)
            issue(pred0, true0, sp0, st0, off2)
            wait(pred1, true1, sp1, st1)
            accs = compute(pred1, true1, accs)
            return accs

        z = jnp.zeros((_LANES,), jnp.float32)
        accs = lax.fori_loop(0, n_chunks // 2, body, (z,) * 4)
        wait(pred0, true0, sp0, st0)
        a0, a1, a2, a3 = accs
        acc_v[...] = (a0 + a1) + (a2 + a3)
        pltpu.sync_copy(acc_v, out_hbm.at[wid])

    return k(y_pred_flat, y_true_flat, lut)


_TC_BLOCK = 8192


def _wse_tc(yp2d, yt2d, lut2, row0):
    rows = yp2d.shape[0] - row0
    assert rows % _TC_BLOCK == 0 and row0 % _TC_BLOCK == 0
    grid = (rows // _TC_BLOCK,)
    scale = 1.0 / (SDF_MAX - SDF_MIN)
    bin_a = float(N_BINS - 1) * scale
    bin_b = -SDF_MIN * float(N_BINS - 1) * scale + 0.5
    blk0 = row0 // _TC_BLOCK

    def body(p_ref, t_ref, l_ref, o_ref):
        i = pl.program_id(0)
        t = t_ref[...]
        p = p_ref[...]
        c = jnp.minimum(jnp.maximum(t, SDF_MIN), SDF_MAX)
        idx = (c * bin_a + bin_b).astype(jnp.int32)
        hi = idx >= 128
        idxm = jax.lax.bitwise_and(idx, 127)
        lo_tab = jnp.broadcast_to(l_ref[0:1, :], idx.shape)
        hi_tab = jnp.broadcast_to(l_ref[1:2, :], idx.shape)
        w = jnp.where(hi,
                      jnp.take_along_axis(hi_tab, idxm, axis=1),
                      jnp.take_along_axis(lo_tab, idxm, axis=1))
        d = p - t
        s = jnp.sum(w * d * d, axis=0, keepdims=True)

        @pl.when(i == 0)
        def _():
            o_ref[...] = jnp.zeros_like(o_ref)

        o_ref[...] += s

    out = pl.pallas_call(
        body,
        grid=grid,
        in_specs=[
            pl.BlockSpec((_TC_BLOCK, 128), lambda i: (blk0 + i, 0)),
            pl.BlockSpec((_TC_BLOCK, 128), lambda i: (blk0 + i, 0)),
            pl.BlockSpec((2, 128), lambda i: (0, 0)),
        ],
        out_specs=pl.BlockSpec((1, 128), lambda i: (0, 0)),
        out_shape=jax.ShapeDtypeStruct((1, 128), jnp.float32),
    )(yp2d, yt2d, lut2)
    return out.sum()


_N_SC = 8 * 1024 * 1024


def kernel(y_pred, y_true, lut):
    n = y_pred.size
    yp = y_pred.reshape(-1)
    yt = y_true.reshape(-1)
    partials = _wse_partials(yp, yt, lut, _N_SC)
    tc_sum = _wse_tc(y_pred.reshape(-1, 128), y_true.reshape(-1, 128),
                     lut.reshape(2, 128), _N_SC // 128)
    return (partials.sum() + tc_sum) / n

# --- scband reference (transcript-rebuilt; emitter-appended) ---
"""Pipeline reference for scband-fixed-lutweighted-mseloss-13219909337499 (READ-ONLY COPY).

The authoritative reference and input builder live on the scoring server;
editing this copy changes nothing except your own understanding.
"""

import jax, jax.numpy as jnp
import numpy as np

SDF_MIN = -7.0
SDF_MAX = 7.0
N_BINS = 256


def setup_inputs(seed: int = 0) -> dict:
    key = jax.random.key(seed)
    k1, k2 = jax.random.split(key)
    y_pred = jax.random.normal(k1, (8, 128, 128, 128), dtype=jnp.float32)
    y_true = jax.random.normal(k2, (8, 128, 128, 128), dtype=jnp.float32)
    lut = jnp.ones((N_BINS,), dtype=jnp.float32)
    return {"y_pred": y_pred, "y_true": y_true, "lut": lut}


def reference(y_pred, y_true, lut):
    scale = 1.0 / (SDF_MAX - SDF_MIN)
    # _bin_indices (computed under no_grad in the torch original)
    clamped = jnp.clip(y_true, SDF_MIN, SDF_MAX)
    unit = (clamped - SDF_MIN) * scale
    idx = jnp.round(unit * (N_BINS - 1)).astype(jnp.int32)
    idx = jax.lax.stop_gradient(idx)
    # LUT gather -> per-element weight
    w = jnp.take(lut, idx, axis=0).astype(y_pred.dtype)
    wse = w * (y_pred - y_true) ** 2
    # reduction == 'mean'
    return wse.sum() / y_pred.size

if __name__ == "__main__":
    import jax
    _d = setup_inputs()
    print(jax.jit(kernel)(*tuple(_d.values())))

</pallas_src>

<mosaic_0001>
#map = affine_map<(d0, d1) -> (0)>
#map1 = affine_map<(d0, d1) -> (0, 0)>
module attributes {stable_mosaic.version = 14 : i64} {
  func.func @k(%arg0: i32, %arg1: i32, %arg2: memref<16777216xf32, #tpu.memory_space<hbm>>, %arg3: memref<16777216xf32, #tpu.memory_space<hbm>>, %arg4: memref<256xf32, #tpu.memory_space<hbm>>, %arg5: memref<32x16xf32, #tpu.memory_space<hbm>>, %arg6: memref<256xf32, #tpu.memory_space<vmem>>, %arg7: memref<16384xf32, #tpu.memory_space<vmem>>, %arg8: memref<16384xf32, #tpu.memory_space<vmem>>, %arg9: memref<16384xf32, #tpu.memory_space<vmem>>, %arg10: memref<16384xf32, #tpu.memory_space<vmem>>, %arg11: memref<16xf32, #tpu.memory_space<vmem>>, %arg12: memref<!tpu.dma_semaphore, #tpu.memory_space<semaphore_mem>>, %arg13: memref<!tpu.dma_semaphore, #tpu.memory_space<semaphore_mem>>, %arg14: memref<!tpu.dma_semaphore, #tpu.memory_space<semaphore_mem>>, %arg15: memref<!tpu.dma_semaphore, #tpu.memory_space<semaphore_mem>>) attributes {dimension_semantics = [#tpu.dimension_semantics<core_parallel>, #tpu.dimension_semantics<subcore_parallel>], iteration_bounds = array<i64: 2, 16>, scalar_prefetch = 0 : i64, scratch_operands = 10 : i64, tpu.core_type = #tpu.core_type<sc_vector_subcore>, window_params = [{transform_indices = #map}, {transform_indices = #map}, {transform_indices = #map}, {transform_indices = #map1}]} {
    %mul3A = arith.constant 2 : i32
    %mul3A_0 = arith.muli %arg1, %mul3A : i32
    %add3A = arith.addi %mul3A_0, %arg0 : i32
    %mul3A_1 = arith.constant 262144 : i32
    %mul3A_2 = arith.muli %add3A, %mul3A_1 : i32
    "tpu.region"() ({
      %run_scoped3A = tpu.sem_alloc : memref<!tpu.dma_semaphore, #tpu.memory_space<semaphore_mem>>
      tpu.enqueue_dma source(%arg4 : memref<256xf32, #tpu.memory_space<hbm>>) target(%arg6 : memref<256xf32, #tpu.memory_space<vmem>>) target_semaphore(%run_scoped3A : memref<!tpu.dma_semaphore, #tpu.memory_space<semaphore_mem>>)
      tpu.wait_dma2 semaphore(%run_scoped3A : memref<!tpu.dma_semaphore, #tpu.memory_space<semaphore_mem>>) src(%arg4 : memref<256xf32, #tpu.memory_space<hbm>>) dst(%arg6 : memref<256xf32, #tpu.memory_space<vmem>>)
      tpu.yield
    }) : () -> ()
    %dma_start3A = tpu.memref_slice %arg2[%mul3A_2] : memref<16777216xf32, #tpu.memory_space<hbm>> -> memref<16384xf32, #tpu.memory_space<hbm>>
    %dma_start3A_3 = tpu.memref_slice %arg2[%mul3A_2] : memref<16777216xf32, #tpu.memory_space<hbm>> -> memref<16384xf32, #tpu.memory_space<hbm>>
    tpu.enqueue_dma source(%dma_start3A_3 : memref<16384xf32, #tpu.memory_space<hbm>>) target(%arg7 : memref<16384xf32, #tpu.memory_space<vmem>>) target_semaphore(%arg12 : memref<!tpu.dma_semaphore, #tpu.memory_space<semaphore_mem>>)
    %dma_start3A_4 = tpu.memref_slice %arg3[%mul3A_2] : memref<16777216xf32, #tpu.memory_space<hbm>> -> memref<16384xf32, #tpu.memory_space<hbm>>
    %dma_start3A_5 = tpu.memref_slice %arg3[%mul3A_2] : memref<16777216xf32, #tpu.memory_space<hbm>> -> memref<16384xf32, #tpu.memory_space<hbm>>
    tpu.enqueue_dma source(%dma_start3A_5 : memref<16384xf32, #tpu.memory_space<hbm>>) target(%arg8 : memref<16384xf32, #tpu.memory_space<vmem>>) target_semaphore(%arg13 : memref<!tpu.dma_semaphore, #tpu.memory_space<semaphore_mem>>)
    %broadcast_in_dim3A = arith.constant 0.000000e+00 : f32
    %broadcast_in_dim3A_6 = vector.broadcast %broadcast_in_dim3A : f32 to vector<16xf32>
    %scan3A = arith.constant 0 : i32
    %scan3A_7 = arith.constant 8 : i32
    %scan3A_8 = arith.addi %scan3A, %scan3A_7 : i32
    %scan3A_9 = arith.constant 1 : i32
    %scan3A_10:4 = scf.for %scan3A_23 = %scan3A to %scan3A_8 step %scan3A_9 iter_args(%scan3A_24 = %broadcast_in_dim3A_6, %scan3A_25 = %broadcast_in_dim3A_6, %scan3A_26 = %broadcast_in_dim3A_6, %scan3A_27 = %broadcast_in_dim3A_6) -> (vector<16xf32>, vector<16xf32>, vector<16xf32>, vector<16xf32>)  : i32 {
      %mul3A_28 = arith.constant 2 : i32
      %mul3A_29 = arith.muli %mul3A_28, %scan3A_23 : i32
      %add3A_30 = arith.constant 1 : i32
      %add3A_31 = arith.addi %mul3A_29, %add3A_30 : i32
      %mul3A_32 = arith.constant 16384 : i32
      %mul3A_33 = arith.muli %add3A_31, %mul3A_32 : i32
      %add3A_34 = arith.addi %mul3A_2, %mul3A_33 : i32
      %dma_start3A_35 = tpu.memref_slice %arg2[%add3A_34] : memref<16777216xf32, #tpu.memory_space<hbm>> -> memref<16384xf32, #tpu.memory_space<hbm>>
      %dma_start3A_36 = tpu.memref_slice %arg2[%add3A_34] : memref<16777216xf32, #tpu.memory_space<hbm>> -> memref<16384xf32, #tpu.memory_space<hbm>>
      tpu.enqueue_dma source(%dma_start3A_36 : memref<16384xf32, #tpu.memory_space<hbm>>) target(%arg9 : memref<16384xf32, #tpu.memory_space<vmem>>) target_semaphore(%arg14 : memref<!tpu.dma_semaphore, #tpu.memory_space<semaphore_mem>>)
      %dma_start3A_37 = tpu.memref_slice %arg3[%add3A_34] : memref<16777216xf32, #tpu.memory_space<hbm>> -> memref<16384xf32, #tpu.memory_space<hbm>>
      %dma_start3A_38 = tpu.memref_slice %arg3[%add3A_34] : memref<16777216xf32, #tpu.memory_space<hbm>> -> memref<16384xf32, #tpu.memory_space<hbm>>
      tpu.enqueue_dma source(%dma_start3A_38 : memref<16384xf32, #tpu.memory_space<hbm>>) target(%arg10 : memref<16384xf32, #tpu.memory_space<vmem>>) target_semaphore(%arg15 : memref<!tpu.dma_semaphore, #tpu.memory_space<semaphore_mem>>)
      %dma_wait3A_39 = arith.constant 0 : i32
      %dma_wait3A_40 = tpu.memref_slice %arg2[%dma_wait3A_39] : memref<16777216xf32, #tpu.memory_space<hbm>> -> memref<16384xf32, #tpu.memory_space<hbm>>
      %dma_wait3A_41 = arith.constant 0 : i32
      %dma_wait3A_42 = tpu.memref_slice %arg2[%dma_wait3A_41] : memref<16777216xf32, #tpu.memory_space<hbm>> -> memref<16384xf32, #tpu.memory_space<hbm>>
      tpu.wait_dma2 semaphore(%arg12 : memref<!tpu.dma_semaphore, #tpu.memory_space<semaphore_mem>>) src(%dma_wait3A_42 : memref<16384xf32, #tpu.memory_space<hbm>>) dst(%arg7 : memref<16384xf32, #tpu.memory_space<vmem>>)
      %dma_wait3A_43 = arith.constant 0 : i32
      %dma_wait3A_44 = tpu.memref_slice %arg3[%dma_wait3A_43] : memref<16777216xf32, #tpu.memory_space<hbm>> -> memref<16384xf32, #tpu.memory_space<hbm>>
      %dma_wait3A_45 = arith.constant 0 : i32
      %dma_wait3A_46 = tpu.memref_slice %arg3[%dma_wait3A_45] : memref<16777216xf32, #tpu.memory_space<hbm>> -> memref<16384xf32, #tpu.memory_space<hbm>>
      tpu.wait_dma2 semaphore(%arg13 : memref<!tpu.dma_semaphore, #tpu.memory_space<semaphore_mem>>) src(%dma_wait3A_46 : memref<16384xf32, #tpu.memory_space<hbm>>) dst(%arg8 : memref<16384xf32, #tpu.memory_space<vmem>>)
      %parallel_loop3A = arith.constant 0 : i32
      %parallel_loop3A_47 = arith.constant 16384 : i32
      %parallel_loop3A_48 = arith.constant 64 : i32
      %parallel_loop3A_49:4 = scf.for %parallel_loop3A_72 = %parallel_loop3A to %parallel_loop3A_47 step %parallel_loop3A_48 iter_args(%parallel_loop3A_73 = %scan3A_24, %parallel_loop3A_74 = %scan3A_25, %parallel_loop3A_75 = %scan3A_26, %parallel_loop3A_76 = %scan3A_27) -> (vector<16xf32>, vector<16xf32>, vector<16xf32>, vector<16xf32>)  : i32 {
        %parallel_loop3A_77 = arith.constant 0 : i32
        %parallel_loop3A_78 = arith.addi %parallel_loop3A_72, %parallel_loop3A_77 : i32
        %parallel_loop3A_79 = arith.index_cast %parallel_loop3A_78 : i32 to index
        %parallel_loop3A_80 = tpu.vector_load %arg8[%parallel_loop3A_79] {strides = array<i32>} : memref<16384xf32, #tpu.memory_space<vmem>>, vector<16xf32>,
        %parallel_loop3A_81 = arith.index_cast %parallel_loop3A_78 : i32 to index
        %parallel_loop3A_82 = tpu.vector_load %arg7[%parallel_loop3A_81] {strides = array<i32>} : memref<16384xf32, #tpu.memory_space<vmem>>, vector<16xf32>,
        %parallel_loop3A_83 = arith.constant -7.000000e+00 : f32
        %parallel_loop3A_84 = vector.broadcast %parallel_loop3A_83 : f32 to vector<16xf32>
        %parallel_loop3A_85 = arith.maximumf %parallel_loop3A_80, %parallel_loop3A_84 : vector<16xf32>
        %parallel_loop3A_86 = arith.constant 7.000000e+00 : f32
        %parallel_loop3A_87 = vector.broadcast %parallel_loop3A_86 : f32 to vector<16xf32>
        %parallel_loop3A_88 = arith.minimumf %parallel_loop3A_85, %parallel_loop3A_87 : vector<16xf32>
        %parallel_loop3A_89 = arith.constant 18.2142849 : f32
        %parallel_loop3A_90 = vector.broadcast %parallel_loop3A_89 : f32 to vector<16xf32>
        %parallel_loop3A_91 = arith.mulf %parallel_loop3A_88, %parallel_loop3A_90 : vector<16xf32>
        %parallel_loop3A_92 = arith.constant 1.280000e+02 : f32
        %parallel_loop3A_93 = vector.broadcast %parallel_loop3A_92 : f32 to vector<16xf32>
        %parallel_loop3A_94 = arith.addf %parallel_loop3A_91, %parallel_loop3A_93 : vector<16xf32>
        %parallel_loop3A_95 = arith.fptosi %parallel_loop3A_94 : vector<16xf32> to vector<16xi32>
        %parallel_loop3A_96 = tpu.vector_load_idx %arg6[%parallel_loop3A_95] : memref<256xf32, #tpu.memory_space<vmem>>[vector<16xi32>], vector<16xf32>,
        %parallel_loop3A_97 = arith.subf %parallel_loop3A_82, %parallel_loop3A_80 : vector<16xf32>
        %parallel_loop3A_98 = arith.mulf %parallel_loop3A_96, %parallel_loop3A_97 : vector<16xf32>
        %parallel_loop3A_99 = arith.mulf %parallel_loop3A_98, %parallel_loop3A_97 : vector<16xf32>
        %parallel_loop3A_100 = arith.addf %parallel_loop3A_73, %parallel_loop3A_99 : vector<16xf32>
        %parallel_loop3A_101 = arith.constant 16 : i32
        %parallel_loop3A_102 = arith.addi %parallel_loop3A_72, %parallel_loop3A_101 : i32
        %parallel_loop3A_103 = arith.index_cast %parallel_loop3A_102 : i32 to index
        %parallel_loop3A_104 = tpu.vector_load %arg8[%parallel_loop3A_103] {strides = array<i32>} : memref<16384xf32, #tpu.memory_space<vmem>>, vector<16xf32>,
        %parallel_loop3A_105 = arith.index_cast %parallel_loop3A_102 : i32 to index
        %parallel_loop3A_106 = tpu.vector_load %arg7[%parallel_loop3A_105] {strides = array<i32>} : memref<16384xf32, #tpu.memory_space<vmem>>, vector<16xf32>,
        %parallel_loop3A_107 = arith.constant -7.000000e+00 : f32
        %parallel_loop3A_108 = vector.broadcast %parallel_loop3A_107 : f32 to vector<16xf32>
        %parallel_loop3A_109 = arith.maximumf %parallel_loop3A_104, %parallel_loop3A_108 : vector<16xf32>
        %parallel_loop3A_110 = arith.constant 7.000000e+00 : f32
        %parallel_loop3A_111 = vector.broadcast %parallel_loop3A_110 : f32 to vector<16xf32>
        %parallel_loop3A_112 = arith.minimumf %parallel_loop3A_109, %parallel_loop3A_111 : vector<16xf32>
        %parallel_loop3A_113 = arith.constant 18.2142849 : f32
        %parallel_loop3A_114 = vector.broadcast %parallel_loop3A_113 : f32 to vector<16xf32>
        %parallel_loop3A_115 = arith.mulf %parallel_loop3A_112, %parallel_loop3A_114 : vector<16xf32>
        %parallel_loop3A_116 = arith.constant 1.280000e+02 : f32
        %parallel_loop3A_117 = vector.broadcast %parallel_loop3A_116 : f32 to vector<16xf32>
        %parallel_loop3A_118 = arith.addf %parallel_loop3A_115, %parallel_loop3A_117 : vector<16xf32>
        %parallel_loop3A_119 = arith.fptosi %parallel_loop3A_118 : vector<16xf32> to vector<16xi32>
        %parallel_loop3A_120 = tpu.vector_load_idx %arg6[%parallel_loop3A_119] : memref<256xf32, #tpu.memory_space<vmem>>[vector<16xi32>], vector<16xf32>,
        %parallel_loop3A_121 = arith.subf %parallel_loop3A_106, %parallel_loop3A_104 : vector<16xf32>
        %parallel_loop3A_122 = arith.mulf %parallel_loop3A_120, %parallel_loop3A_121 : vector<16xf32>
        %parallel_loop3A_123 = arith.mulf %parallel_loop3A_122, %parallel_loop3A_121 : vector<16xf32>
        %parallel_loop3A_124 = arith.addf %parallel_loop3A_74, %parallel_loop3A_123 : vector<16xf32>
        %parallel_loop3A_125 = arith.constant 32 : i32
        %parallel_loop3A_126 = arith.addi %parallel_loop3A_72, %parallel_loop3A_125 : i32
        %parallel_loop3A_127 = arith.index_cast %parallel_loop3A_126 : i32 to index
        %parallel_loop3A_128 = tpu.vector_load %arg8[%parallel_loop3A_127] {strides = array<i32>} : memref<16384xf32, #tpu.memory_space<vmem>>, vector<16xf32>,
        %parallel_loop3A_129 = arith.index_cast %parallel_loop3A_126 : i32 to index
        %parallel_loop3A_130 = tpu.vector_load %arg7[%parallel_loop3A_129] {strides = array<i32>} : memref<16384xf32, #tpu.memory_space<vmem>>, vector<16xf32>,
        %parallel_loop3A_131 = arith.constant -7.000000e+00 : f32
        %parallel_loop3A_132 = vector.broadcast %parallel_loop3A_131 : f32 to vector<16xf32>
        %parallel_loop3A_133 = arith.maximumf %parallel_loop3A_128, %parallel_loop3A_132 : vector<16xf32>
        %parallel_loop3A_134 = arith.constant 7.000000e+00 : f32
        %parallel_loop3A_135 = vector.broadcast %parallel_loop3A_134 : f32 to vector<16xf32>
        %parallel_loop3A_136 = arith.minimumf %parallel_loop3A_133, %parallel_loop3A_135 : vector<16xf32>
        %parallel_loop3A_137 = arith.constant 18.2142849 : f32
        %parallel_loop3A_138 = vector.broadcast %parallel_loop3A_137 : f32 to vector<16xf32>
        %parallel_loop3A_139 = arith.mulf %parallel_loop3A_136, %parallel_loop3A_138 : vector<16xf32>
        %parallel_loop3A_140 = arith.constant 1.280000e+02 : f32
        %parallel_loop3A_141 = vector.broadcast %parallel_loop3A_140 : f32 to vector<16xf32>
        %parallel_loop3A_142 = arith.addf %parallel_loop3A_139, %parallel_loop3A_141 : vector<16xf32>
        %parallel_loop3A_143 = arith.fptosi %parallel_loop3A_142 : vector<16xf32> to vector<16xi32>
        %parallel_loop3A_144 = tpu.vector_load_idx %arg6[%parallel_loop3A_143] : memref<256xf32, #tpu.memory_space<vmem>>[vector<16xi32>], vector<16xf32>,
        %parallel_loop3A_145 = arith.subf %parallel_loop3A_130, %parallel_loop3A_128 : vector<16xf32>
        %parallel_loop3A_146 = arith.mulf %parallel_loop3A_144, %parallel_loop3A_145 : vector<16xf32>
        %parallel_loop3A_147 = arith.mulf %parallel_loop3A_146, %parallel_loop3A_145 : vector<16xf32>
        %parallel_loop3A_148 = arith.addf %parallel_loop3A_75, %parallel_loop3A_147 : vector<16xf32>
        %parallel_loop3A_149 = arith.constant 48 : i32
        %parallel_loop3A_150 = arith.addi %parallel_loop3A_72, %parallel_loop3A_149 : i32
        %parallel_loop3A_151 = arith.index_cast %parallel_loop3A_150 : i32 to index
        %parallel_loop3A_152 = tpu.vector_load %arg8[%parallel_loop3A_151] {strides = array<i32>} : memref<16384xf32, #tpu.memory_space<vmem>>, vector<16xf32>,
        %parallel_loop3A_153 = arith.index_cast %parallel_loop3A_150 : i32 to index
        %parallel_loop3A_154 = tpu.vector_load %arg7[%parallel_loop3A_153] {strides = array<i32>} : memref<16384xf32, #tpu.memory_space<vmem>>, vector<16xf32>,
        %parallel_loop3A_155 = arith.constant -7.000000e+00 : f32
        %parallel_loop3A_156 = vector.broadcast %parallel_loop3A_155 : f32 to vector<16xf32>
        %parallel_loop3A_157 = arith.maximumf %parallel_loop3A_152, %parallel_loop3A_156 : vector<16xf32>
        %parallel_loop3A_158 = arith.constant 7.000000e+00 : f32
        %parallel_loop3A_159 = vector.broadcast %parallel_loop3A_158 : f32 to vector<16xf32>
        %parallel_loop3A_160 = arith.minimumf %parallel_loop3A_157, %parallel_loop3A_159 : vector<16xf32>
        %parallel_loop3A_161 = arith.constant 18.2142849 : f32
        %parallel_loop3A_162 = vector.broadcast %parallel_loop3A_161 : f32 to vector<16xf32>
        %parallel_loop3A_163 = arith.mulf %parallel_loop3A_160, %parallel_loop3A_162 : vector<16xf32>
        %parallel_loop3A_164 = arith.constant 1.280000e+02 : f32
        %parallel_loop3A_165 = vector.broadcast %parallel_loop3A_164 : f32 to vector<16xf32>
        %parallel_loop3A_166 = arith.addf %parallel_loop3A_163, %parallel_loop3A_165 : vector<16xf32>
        %parallel_loop3A_167 = arith.fptosi %parallel_loop3A_166 : vector<16xf32> to vector<16xi32>
        %parallel_loop3A_168 = tpu.vector_load_idx %arg6[%parallel_loop3A_167] : memref<256xf32, #tpu.memory_space<vmem>>[vector<16xi32>], vector<16xf32>,
        %parallel_loop3A_169 = arith.subf %parallel_loop3A_154, %parallel_loop3A_152 : vector<16xf32>
        %parallel_loop3A_170 = arith.mulf %parallel_loop3A_168, %parallel_loop3A_169 : vector<16xf32>
        %parallel_loop3A_171 = arith.mulf %parallel_loop3A_170, %parallel_loop3A_169 : vector<16xf32>
        %parallel_loop3A_172 = arith.addf %parallel_loop3A_76, %parallel_loop3A_171 : vector<16xf32>
        scf.yield %parallel_loop3A_100, %parallel_loop3A_124, %parallel_loop3A_148, %parallel_loop3A_172 : vector<16xf32>, vector<16xf32>, vector<16xf32>, vector<16xf32>
      } {sc.loop_unroll_factor = 4 : i64, sc.parallel_access}
      %add3A_50 = arith.constant 2 : i32
      %add3A_51 = arith.addi %mul3A_29, %add3A_50 : i32
      %mul3A_52 = arith.constant 16384 : i32
      %mul3A_53 = arith.muli %add3A_51, %mul3A_52 : i32
      %add3A_54 = arith.addi %mul3A_2, %mul3A_53 : i32
      %min3A = arith.constant 16760832 : i32
      %min3A_55 = arith.minsi %add3A_54, %min3A : i32
      %dma_start3A_56 = tpu.memref_slice %arg2[%min3A_55] : memref<16777216xf32, #tpu.memory_space<hbm>> -> memref<16384xf32, #tpu.memory_space<hbm>>
      %dma_start3A_57 = tpu.memref_slice %arg2[%min3A_55] : memref<16777216xf32, #tpu.memory_space<hbm>> -> memref<16384xf32, #tpu.memory_space<hbm>>
      tpu.enqueue_dma source(%dma_start3A_57 : memref<16384xf32, #tpu.memory_space<hbm>>) target(%arg7 : memref<16384xf32, #tpu.memory_space<vmem>>) target_semaphore(%arg12 : memref<!tpu.dma_semaphore, #tpu.memory_space<semaphore_mem>>)
      %dma_start3A_58 = tpu.memref_slice %arg3[%min3A_55] : memref<16777216xf32, #tpu.memory_space<hbm>> -> memref<16384xf32, #tpu.memory_space<hbm>>
      %dma_start3A_59 = tpu.memref_slice %arg3[%min3A_55] : memref<16777216xf32, #tpu.memory_space<hbm>> -> memref<16384xf32, #tpu.memory_space<hbm>>
      tpu.enqueue_dma source(%dma_start3A_59 : memref<16384xf32, #tpu.memory_space<hbm>>) target(%arg8 : memref<16384xf32, #tpu.memory_space<vmem>>) target_semaphore(%arg13 : memref<!tpu.dma_semaphore, #tpu.memory_space<semaphore_mem>>)
      %dma_wait3A_60 = arith.constant 0 : i32
      %dma_wait3A_61 = tpu.memref_slice %arg2[%dma_wait3A_60] : memref<16777216xf32, #tpu.memory_space<hbm>> -> memref<16384xf32, #tpu.memory_space<hbm>>
      %dma_wait3A_62 = arith.constant 0 : i32
      %dma_wait3A_63 = tpu.memref_slice %arg2[%dma_wait3A_62] : memref<16777216xf32, #tpu.memory_space<hbm>> -> memref<16384xf32, #tpu.memory_space<hbm>>
      tpu.wait_dma2 semaphore(%arg14 : memref<!tpu.dma_semaphore, #tpu.memory_space<semaphore_mem>>) src(%dma_wait3A_63 : memref<16384xf32, #tpu.memory_space<hbm>>) dst(%arg9 : memref<16384xf32, #tpu.memory_space<vmem>>)
      %dma_wait3A_64 = arith.constant 0 : i32
      %dma_wait3A_65 = tpu.memref_slice %arg3[%dma_wait3A_64] : memref<16777216xf32, #tpu.memory_space<hbm>> -> memref<16384xf32, #tpu.memory_space<hbm>>
      %dma_wait3A_66 = arith.constant 0 : i32
      %dma_wait3A_67 = tpu.memref_slice %arg3[%dma_wait3A_66] : memref<16777216xf32, #tpu.memory_space<hbm>> -> memref<16384xf32, #tpu.memory_space<hbm>>
      tpu.wait_dma2 semaphore(%arg15 : memref<!tpu.dma_semaphore, #tpu.memory_space<semaphore_mem>>) src(%dma_wait3A_67 : memref<16384xf32, #tpu.memory_space<hbm>>) dst(%arg10 : memref<16384xf32, #tpu.memory_space<vmem>>)
      %parallel_loop3A_68 = arith.constant 0 : i32
      %parallel_loop3A_69 = arith.constant 16384 : i32
      %parallel_loop3A_70 = arith.constant 64 : i32
      %parallel_loop3A_71:4 = scf.for %parallel_loop3A_72 = %parallel_loop3A_68 to %parallel_loop3A_69 step %parallel_loop3A_70 iter_args(%parallel_loop3A_73 = %parallel_loop3A_49#0, %parallel_loop3A_74 = %parallel_loop3A_49#1, %parallel_loop3A_75 = %parallel_loop3A_49#2, %parallel_loop3A_76 = %parallel_loop3A_49#3) -> (vector<16xf32>, vector<16xf32>, vector<16xf32>, vector<16xf32>)  : i32 {
        %parallel_loop3A_77 = arith.constant 0 : i32
        %parallel_loop3A_78 = arith.addi %parallel_loop3A_72, %parallel_loop3A_77 : i32
        %parallel_loop3A_79 = arith.index_cast %parallel_loop3A_78 : i32 to index
        %parallel_loop3A_80 = tpu.vector_load %arg10[%parallel_loop3A_79] {strides = array<i32>} : memref<16384xf32, #tpu.memory_space<vmem>>, vector<16xf32>,
        %parallel_loop3A_81 = arith.index_cast %parallel_loop3A_78 : i32 to index
        %parallel_loop3A_82 = tpu.vector_load %arg9[%parallel_loop3A_81] {strides = array<i32>} : memref<16384xf32, #tpu.memory_space<vmem>>, vector<16xf32>,
        %parallel_loop3A_83 = arith.constant -7.000000e+00 : f32
        %parallel_loop3A_84 = vector.broadcast %parallel_loop3A_83 : f32 to vector<16xf32>
        %parallel_loop3A_85 = arith.maximumf %parallel_loop3A_80, %parallel_loop3A_84 : vector<16xf32>
        %parallel_loop3A_86 = arith.constant 7.000000e+00 : f32
        %parallel_loop3A_87 = vector.broadcast %parallel_loop3A_86 : f32 to vector<16xf32>
        %parallel_loop3A_88 = arith.minimumf %parallel_loop3A_85, %parallel_loop3A_87 : vector<16xf32>
        %parallel_loop3A_89 = arith.constant 18.2142849 : f32
        %parallel_loop3A_90 = vector.broadcast %parallel_loop3A_89 : f32 to vector<16xf32>
        %parallel_loop3A_91 = arith.mulf %parallel_loop3A_88, %parallel_loop3A_90 : vector<16xf32>
        %parallel_loop3A_92 = arith.constant 1.280000e+02 : f32
        %parallel_loop3A_93 = vector.broadcast %parallel_loop3A_92 : f32 to vector<16xf32>
        %parallel_loop3A_94 = arith.addf %parallel_loop3A_91, %parallel_loop3A_93 : vector<16xf32>
        %parallel_loop3A_95 = arith.fptosi %parallel_loop3A_94 : vector<16xf32> to vector<16xi32>
        %parallel_loop3A_96 = tpu.vector_load_idx %arg6[%parallel_loop3A_95] : memref<256xf32, #tpu.memory_space<vmem>>[vector<16xi32>], vector<16xf32>,
        %parallel_loop3A_97 = arith.subf %parallel_loop3A_82, %parallel_loop3A_80 : vector<16xf32>
        %parallel_loop3A_98 = arith.mulf %parallel_loop3A_96, %parallel_loop3A_97 : vector<16xf32>
        %parallel_loop3A_99 = arith.mulf %parallel_loop3A_98, %parallel_loop3A_97 : vector<16xf32>
        %parallel_loop3A_100 = arith.addf %parallel_loop3A_73, %parallel_loop3A_99 : vector<16xf32>
        %parallel_loop3A_101 = arith.constant 16 : i32
        %parallel_loop3A_102 = arith.addi %parallel_loop3A_72, %parallel_loop3A_101 : i32
        %parallel_loop3A_103 = arith.index_cast %parallel_loop3A_102 : i32 to index
        %parallel_loop3A_104 = tpu.vector_load %arg10[%parallel_loop3A_103] {strides = array<i32>} : memref<16384xf32, #tpu.memory_space<vmem>>, vector<16xf32>,
        %parallel_loop3A_105 = arith.index_cast %parallel_loop3A_102 : i32 to index
        %parallel_loop3A_106 = tpu.vector_load %arg9[%parallel_loop3A_105] {strides = array<i32>} : memref<16384xf32, #tpu.memory_space<vmem>>, vector<16xf32>,
        %parallel_loop3A_107 = arith.constant -7.000000e+00 : f32
        %parallel_loop3A_108 = vector.broadcast %parallel_loop3A_107 : f32 to vector<16xf32>
        %parallel_loop3A_109 = arith.maximumf %parallel_loop3A_104, %parallel_loop3A_108 : vector<16xf32>
        %parallel_loop3A_110 = arith.constant 7.000000e+00 : f32
        %parallel_loop3A_111 = vector.broadcast %parallel_loop3A_110 : f32 to vector<16xf32>
        %parallel_loop3A_112 = arith.minimumf %parallel_loop3A_109, %parallel_loop3A_111 : vector<16xf32>
        %parallel_loop3A_113 = arith.constant 18.2142849 : f32
        %parallel_loop3A_114 = vector.broadcast %parallel_loop3A_113 : f32 to vector<16xf32>
        %parallel_loop3A_115 = arith.mulf %parallel_loop3A_112, %parallel_loop3A_114 : vector<16xf32>
        %parallel_loop3A_116 = arith.constant 1.280000e+02 : f32
        %parallel_loop3A_117 = vector.broadcast %parallel_loop3A_116 : f32 to vector<16xf32>
        %parallel_loop3A_118 = arith.addf %parallel_loop3A_115, %parallel_loop3A_117 : vector<16xf32>
        %parallel_loop3A_119 = arith.fptosi %parallel_loop3A_118 : vector<16xf32> to vector<16xi32>
        %parallel_loop3A_120 = tpu.vector_load_idx %arg6[%parallel_loop3A_119] : memref<256xf32, #tpu.memory_space<vmem>>[vector<16xi32>], vector<16xf32>,
        %parallel_loop3A_121 = arith.subf %parallel_loop3A_106, %parallel_loop3A_104 : vector<16xf32>
        %parallel_loop3A_122 = arith.mulf %parallel_loop3A_120, %parallel_loop3A_121 : vector<16xf32>
        %parallel_loop3A_123 = arith.mulf %parallel_loop3A_122, %parallel_loop3A_121 : vector<16xf32>
        %parallel_loop3A_124 = arith.addf %parallel_loop3A_74, %parallel_loop3A_123 : vector<16xf32>
        %parallel_loop3A_125 = arith.constant 32 : i32
        %parallel_loop3A_126 = arith.addi %parallel_loop3A_72, %parallel_loop3A_125 : i32
        %parallel_loop3A_127 = arith.index_cast %parallel_loop3A_126 : i32 to index
        %parallel_loop3A_128 = tpu.vector_load %arg10[%parallel_loop3A_127] {strides = array<i32>} : memref<16384xf32, #tpu.memory_space<vmem>>, vector<16xf32>,
        %parallel_loop3A_129 = arith.index_cast %parallel_loop3A_126 : i32 to index
        %parallel_loop3A_130 = tpu.vector_load %arg9[%parallel_loop3A_129] {strides = array<i32>} : memref<16384xf32, #tpu.memory_space<vmem>>, vector<16xf32>,
        %parallel_loop3A_131 = arith.constant -7.000000e+00 : f32
        %parallel_loop3A_132 = vector.broadcast %parallel_loop3A_131 : f32 to vector<16xf32>
        %parallel_loop3A_133 = arith.maximumf %parallel_loop3A_128, %parallel_loop3A_132 : vector<16xf32>
        %parallel_loop3A_134 = arith.constant 7.000000e+00 : f32
        %parallel_loop3A_135 = vector.broadcast %parallel_loop3A_134 : f32 to vector<16xf32>
        %parallel_loop3A_136 = arith.minimumf %parallel_loop3A_133, %parallel_loop3A_135 : vector<16xf32>
        %parallel_loop3A_137 = arith.constant 18.2142849 : f32
        %parallel_loop3A_138 = vector.broadcast %parallel_loop3A_137 : f32 to vector<16xf32>
        %parallel_loop3A_139 = arith.mulf %parallel_loop3A_136, %parallel_loop3A_138 : vector<16xf32>
        %parallel_loop3A_140 = arith.constant 1.280000e+02 : f32
        %parallel_loop3A_141 = vector.broadcast %parallel_loop3A_140 : f32 to vector<16xf32>
        %parallel_loop3A_142 = arith.addf %parallel_loop3A_139, %parallel_loop3A_141 : vector<16xf32>
        %parallel_loop3A_143 = arith.fptosi %parallel_loop3A_142 : vector<16xf32> to vector<16xi32>
        %parallel_loop3A_144 = tpu.vector_load_idx %arg6[%parallel_loop3A_143] : memref<256xf32, #tpu.memory_space<vmem>>[vector<16xi32>], vector<16xf32>,
        %parallel_loop3A_145 = arith.subf %parallel_loop3A_130, %parallel_loop3A_128 : vector<16xf32>
        %parallel_loop3A_146 = arith.mulf %parallel_loop3A_144, %parallel_loop3A_145 : vector<16xf32>
        %parallel_loop3A_147 = arith.mulf %parallel_loop3A_146, %parallel_loop3A_145 : vector<16xf32>
        %parallel_loop3A_148 = arith.addf %parallel_loop3A_75, %parallel_loop3A_147 : vector<16xf32>
        %parallel_loop3A_149 = arith.constant 48 : i32
        %parallel_loop3A_150 = arith.addi %parallel_loop3A_72, %parallel_loop3A_149 : i32
        %parallel_loop3A_151 = arith.index_cast %parallel_loop3A_150 : i32 to index
        %parallel_loop3A_152 = tpu.vector_load %arg10[%parallel_loop3A_151] {strides = array<i32>} : memref<16384xf32, #tpu.memory_space<vmem>>, vector<16xf32>,
        %parallel_loop3A_153 = arith.index_cast %parallel_loop3A_150 : i32 to index
        %parallel_loop3A_154 = tpu.vector_load %arg9[%parallel_loop3A_153] {strides = array<i32>} : memref<16384xf32, #tpu.memory_space<vmem>>, vector<16xf32>,
        %parallel_loop3A_155 = arith.constant -7.000000e+00 : f32
        %parallel_loop3A_156 = vector.broadcast %parallel_loop3A_155 : f32 to vector<16xf32>
        %parallel_loop3A_157 = arith.maximumf %parallel_loop3A_152, %parallel_loop3A_156 : vector<16xf32>
        %parallel_loop3A_158 = arith.constant 7.000000e+00 : f32
        %parallel_loop3A_159 = vector.broadcast %parallel_loop3A_158 : f32 to vector<16xf32>
        %parallel_loop3A_160 = arith.minimumf %parallel_loop3A_157, %parallel_loop3A_159 : vector<16xf32>
        %parallel_loop3A_161 = arith.constant 18.2142849 : f32
        %parallel_loop3A_162 = vector.broadcast %parallel_loop3A_161 : f32 to vector<16xf32>
        %parallel_loop3A_163 = arith.mulf %parallel_loop3A_160, %parallel_loop3A_162 : vector<16xf32>
        %parallel_loop3A_164 = arith.constant 1.280000e+02 : f32
        %parallel_loop3A_165 = vector.broadcast %parallel_loop3A_164 : f32 to vector<16xf32>
        %parallel_loop3A_166 = arith.addf %parallel_loop3A_163, %parallel_loop3A_165 : vector<16xf32>
        %parallel_loop3A_167 = arith.fptosi %parallel_loop3A_166 : vector<16xf32> to vector<16xi32>
        %parallel_loop3A_168 = tpu.vector_load_idx %arg6[%parallel_loop3A_167] : memref<256xf32, #tpu.memory_space<vmem>>[vector<16xi32>], vector<16xf32>,
        %parallel_loop3A_169 = arith.subf %parallel_loop3A_154, %parallel_loop3A_152 : vector<16xf32>
        %parallel_loop3A_170 = arith.mulf %parallel_loop3A_168, %parallel_loop3A_169 : vector<16xf32>
        %parallel_loop3A_171 = arith.mulf %parallel_loop3A_170, %parallel_loop3A_169 : vector<16xf32>
        %parallel_loop3A_172 = arith.addf %parallel_loop3A_76, %parallel_loop3A_171 : vector<16xf32>
        scf.yield %parallel_loop3A_100, %parallel_loop3A_124, %parallel_loop3A_148, %parallel_loop3A_172 : vector<16xf32>, vector<16xf32>, vector<16xf32>, vector<16xf32>
      } {sc.loop_unroll_factor = 4 : i64, sc.parallel_access}
      scf.yield %parallel_loop3A_71#0, %parallel_loop3A_71#1, %parallel_loop3A_71#2, %parallel_loop3A_71#3 : vector<16xf32>, vector<16xf32>, vector<16xf32>, vector<16xf32>
    }
    %scan3A_11 = arith.constant 8 : i32
    %dma_wait3A = arith.constant 0 : i32
    %dma_wait3A_12 = tpu.memref_slice %arg2[%dma_wait3A] : memref<16777216xf32, #tpu.memory_space<hbm>> -> memref<16384xf32, #tpu.memory_space<hbm>>
    %dma_wait3A_13 = arith.constant 0 : i32
    %dma_wait3A_14 = tpu.memref_slice %arg2[%dma_wait3A_13] : memref<16777216xf32, #tpu.memory_space<hbm>> -> memref<16384xf32, #tpu.memory_space<hbm>>
    tpu.wait_dma2 semaphore(%arg12 : memref<!tpu.dma_semaphore, #tpu.memory_space<semaphore_mem>>) src(%dma_wait3A_14 : memref<16384xf32, #tpu.memory_space<hbm>>) dst(%arg7 : memref<16384xf32, #tpu.memory_space<vmem>>)
    %dma_wait3A_15 = arith.constant 0 : i32
    %dma_wait3A_16 = tpu.memref_slice %arg3[%dma_wait3A_15] : memref<16777216xf32, #tpu.memory_space<hbm>> -> memref<16384xf32, #tpu.memory_space<hbm>>
    %dma_wait3A_17 = arith.constant 0 : i32
    %dma_wait3A_18 = tpu.memref_slice %arg3[%dma_wait3A_17] : memref<16777216xf32, #tpu.memory_space<hbm>> -> memref<16384xf32, #tpu.memory_space<hbm>>
    tpu.wait_dma2 semaphore(%arg13 : memref<!tpu.dma_semaphore, #tpu.memory_space<semaphore_mem>>) src(%dma_wait3A_18 : memref<16384xf32, #tpu.memory_space<hbm>>) dst(%arg8 : memref<16384xf32, #tpu.memory_space<vmem>>)
    %add3A_19 = arith.addf %scan3A_10#0, %scan3A_10#1 : vector<16xf32>
    %add3A_20 = arith.addf %scan3A_10#2, %scan3A_10#3 : vector<16xf32>
    %add3A_21 = arith.addf %add3A_19, %add3A_20 : vector<16xf32>
    %swap3A = arith.constant 0 : index
    %swap3A_22 = tpu.vector_load %arg11[%swap3A] {strides = array<i32>} : memref<16xf32, #tpu.memory_space<vmem>>, vector<16xf32>,
    tpu.vector_store %arg11[%swap3A], %add3A_21 {strides = array<i32>} : memref<16xf32, #tpu.memory_space<vmem>>, vector<16xf32>,
    "tpu.region"() ({
      %run_scoped3A = tpu.sem_alloc : memref<!tpu.dma_semaphore, #tpu.memory_space<semaphore_mem>>
      %dma_start3A_23 = arith.constant 0 : i32
      %dma_start3A_24 = tpu.memref_slice %arg5[%add3A, %dma_start3A_23] : memref<32x16xf32, #tpu.memory_space<hbm>> -> memref<1x16xf32, #tpu.memory_space<hbm>>
      %dma_start3A_25 = tpu.memref_squeeze %dma_start3A_24 : memref<1x16xf32, #tpu.memory_space<hbm>> -> memref<16xf32, #tpu.memory_space<hbm>>
      %dma_start3A_26 = arith.constant 0 : i32
      %dma_start3A_27 = tpu.memref_slice %arg5[%add3A, %dma_start3A_26] : memref<32x16xf32, #tpu.memory_space<hbm>> -> memref<1x16xf32, #tpu.memory_space<hbm>>
      %dma_start3A_28 = tpu.memref_squeeze %dma_start3A_27 : memref<1x16xf32, #tpu.memory_space<hbm>> -> memref<16xf32, #tpu.memory_space<hbm>>
      tpu.enqueue_dma source(%arg11 : memref<16xf32, #tpu.memory_space<vmem>>) target(%dma_start3A_28 : memref<16xf32, #tpu.memory_space<hbm>>) target_semaphore(%run_scoped3A : memref<!tpu.dma_semaphore, #tpu.memory_space<semaphore_mem>>)
      %dma_wait3A_29 = arith.constant 0 : i32
      %dma_wait3A_30 = tpu.memref_slice %arg5[%add3A, %dma_wait3A_29] : memref<32x16xf32, #tpu.memory_space<hbm>> -> memref<1x16xf32, #tpu.memory_space<hbm>>
      %dma_wait3A_31 = tpu.memref_squeeze %dma_wait3A_30 : memref<1x16xf32, #tpu.memory_space<hbm>> -> memref<16xf32, #tpu.memory_space<hbm>>
      %dma_wait3A_32 = arith.constant 0 : i32
      %dma_wait3A_33 = tpu.memref_slice %arg5[%add3A, %dma_wait3A_32] : memref<32x16xf32, #tpu.memory_space<hbm>> -> memref<1x16xf32, #tpu.memory_space<hbm>>
      %dma_wait3A_34 = tpu.memref_squeeze %dma_wait3A_33 : memref<1x16xf32, #tpu.memory_space<hbm>> -> memref<16xf32, #tpu.memory_space<hbm>>
      tpu.wait_dma2 semaphore(%run_scoped3A : memref<!tpu.dma_semaphore, #tpu.memory_space<semaphore_mem>>) src(%arg11 : memref<16xf32, #tpu.memory_space<vmem>>) dst(%dma_wait3A_34 : memref<16xf32, #tpu.memory_space<hbm>>)
      tpu.yield
    }) : () -> ()
    return
  }
}

module attributes {stable_mosaic.version = 14 : i64} {
  func.func @body(%arg0: i32, %arg1: memref<8192x128xf32, #tpu.memory_space<vmem>>, %arg2: memref<8192x128xf32, #tpu.memory_space<vmem>>, %arg3: memref<2x128xf32, #tpu.memory_space<vmem>>, %arg4: memref<1x128xf32, #tpu.memory_space<vmem>>) attributes {dimension_semantics = [#tpu.dimension_semantics<arbitrary>], iteration_bounds = array<i64: 8>, scalar_prefetch = 0 : i64, scratch_operands = 0 : i64, tpu.core_type = #tpu.core_type<tc>, window_params = [{transform_indices = @transform_0, window_bounds = array<i64: 8192, 128>}, {transform_indices = @transform_1, window_bounds = array<i64: 8192, 128>}, {pipeline_mode = #tpu.pipeline_mode<synchronous>, transform_indices = @transform_2, window_bounds = array<i64: 2, 128>}, {pipeline_mode = #tpu.pipeline_mode<synchronous>, transform_indices = @transform_3, window_bounds = array<i64: 1, 128>}]} {
    %get3A = arith.constant 0 : index
    %get3A_0 = arith.constant 0 : index
    %get3A_1 = vector.load %arg2[%get3A, %get3A_0] : memref<8192x128xf32, #tpu.memory_space<vmem>>, vector<8192x128xf32>
    %get3A_2 = arith.constant 0 : index
    %get3A_3 = arith.constant 0 : index
    %get3A_4 = vector.load %arg1[%get3A_2, %get3A_3] : memref<8192x128xf32, #tpu.memory_space<vmem>>, vector<8192x128xf32>
    %max3A = arith.constant -7.000000e+00 : f32
    %max3A_5 = vector.broadcast %max3A : f32 to vector<8192x128xf32>
    %max3A_6 = arith.maximumf %get3A_1, %max3A_5 : vector<8192x128xf32>
    %min3A = arith.constant 7.000000e+00 : f32
    %min3A_7 = vector.broadcast %min3A : f32 to vector<8192x128xf32>
    %min3A_8 = arith.minimumf %max3A_6, %min3A_7 : vector<8192x128xf32>
    %mul3A = arith.constant 18.2142849 : f32
    %mul3A_9 = vector.broadcast %mul3A : f32 to vector<8192x128xf32>
    %mul3A_10 = arith.mulf %min3A_8, %mul3A_9 : vector<8192x128xf32>
    %add3A = arith.constant 1.280000e+02 : f32
    %add3A_11 = vector.broadcast %add3A : f32 to vector<8192x128xf32>
    %add3A_12 = arith.addf %mul3A_10, %add3A_11 : vector<8192x128xf32>
    %convert_element_type3A = arith.fptosi %add3A_12 : vector<8192x128xf32> to vector<8192x128xi32>
    %ge3A = arith.constant 128 : i32
    %ge3A_13 = vector.broadcast %ge3A : i32 to vector<8192x128xi32>
    %ge3A_14 = arith.cmpi sge, %convert_element_type3A, %ge3A_13 : vector<8192x128xi32>
    %and3A = arith.constant 127 : i32
    %and3A_15 = vector.broadcast %and3A : i32 to vector<8192x128xi32>
    %and3A_16 = arith.andi %convert_element_type3A, %and3A_15 : vector<8192x128xi32>
    %get3A_17 = arith.constant 0 : index
    %get3A_18 = arith.constant 0 : index
    %get3A_19 = vector.load %arg3[%get3A_17, %get3A_18] : memref<2x128xf32, #tpu.memory_space<vmem>>, vector<1x128xf32>
    %broadcast_in_dim3A = vector.shape_cast %get3A_19 : vector<1x128xf32> to vector<1x128xf32>
    %broadcast_in_dim3A_20 = vector.broadcast %broadcast_in_dim3A : vector<1x128xf32> to vector<8192x128xf32>
    %get3A_21 = arith.constant 1 : index
    %get3A_22 = arith.constant 0 : index
    %get3A_23 = vector.load %arg3[%get3A_21, %get3A_22] : memref<2x128xf32, #tpu.memory_space<vmem>>, vector<1x128xf32>
    %broadcast_in_dim3A_24 = vector.shape_cast %get3A_23 : vector<1x128xf32> to vector<1x128xf32>
    %broadcast_in_dim3A_25 = vector.broadcast %broadcast_in_dim3A_24 : vector<1x128xf32> to vector<8192x128xf32>
    %lt3A = arith.constant 0 : i32
    %lt3A_26 = vector.broadcast %lt3A : i32 to vector<8192x128xi32>
    %lt3A_27 = arith.cmpi slt, %and3A_16, %lt3A_26 : vector<8192x128xi32>
    %add3A_28 = arith.constant 128 : i32
    %add3A_29 = vector.broadcast %add3A_28 : i32 to vector<8192x128xi32>
    %add3A_30 = arith.addi %and3A_16, %add3A_29 : vector<8192x128xi32>
    %select_n3A = arith.select %lt3A_27, %add3A_30, %and3A_16 : vector<8192x128xi1>, vector<8192x128xi32>
    %reshape3A = vector.shape_cast %select_n3A : vector<8192x128xi32> to vector<8192x128x1xi32>
    %gather3A = vector.shape_cast %reshape3A : vector<8192x128x1xi32> to vector<8192x128xi32>
    %gather3A_31 = tpu.dynamic_gather %broadcast_in_dim3A_25[%gather3A] in [1] : vector<8192x128xf32>, vector<8192x128xi32> -> vector<8192x128xf32>
    %lt3A_32 = arith.constant 0 : i32
    %lt3A_33 = vector.broadcast %lt3A_32 : i32 to vector<8192x128xi32>
    %lt3A_34 = arith.cmpi slt, %and3A_16, %lt3A_33 : vector<8192x128xi32>
    %add3A_35 = arith.constant 128 : i32
    %add3A_36 = vector.broadcast %add3A_35 : i32 to vector<8192x128xi32>
    %add3A_37 = arith.addi %and3A_16, %add3A_36 : vector<8192x128xi32>
    %select_n3A_38 = arith.select %lt3A_34, %add3A_37, %and3A_16 : vector<8192x128xi1>, vector<8192x128xi32>
    %reshape3A_39 = vector.shape_cast %select_n3A_38 : vector<8192x128xi32> to vector<8192x128x1xi32>
    %gather3A_40 = vector.shape_cast %reshape3A_39 : vector<8192x128x1xi32> to vector<8192x128xi32>
    %gather3A_41 = tpu.dynamic_gather %broadcast_in_dim3A_20[%gather3A_40] in [1] : vector<8192x128xf32>, vector<8192x128xi32> -> vector<8192x128xf32>
    %select_n3A_42 = arith.select %ge3A_14, %gather3A_31, %gather3A_41 : vector<8192x128xi1>, vector<8192x128xf32>
    %sub3A = arith.subf %get3A_4, %get3A_1 : vector<8192x128xf32>
    %mul3A_43 = arith.mulf %select_n3A_42, %sub3A : vector<8192x128xf32>
    %mul3A_44 = arith.mulf %mul3A_43, %sub3A : vector<8192x128xf32>
    %reduce_sum3A = arith.constant dense<0.000000e+00> : vector<128xf32>
    %reduce_sum3A_45 = vector.multi_reduction <add>, %mul3A_44, %reduce_sum3A [0] : vector<8192x128xf32> to vector<128xf32>
    %broadcast_in_dim3A_46 = vector.shape_cast %reduce_sum3A_45 : vector<128xf32> to vector<1x128xf32>
    %eq3A = arith.constant 0 : i32
    %eq3A_47 = arith.cmpi eq, %arg0, %eq3A : i32
    %convert_element_type3A_48 = arith.extui %eq3A_47 : i1 to i32
    %cond3A = arith.constant 0 : i32
    %cond3A_49 = arith.cmpi ne, %convert_element_type3A_48, %cond3A : i32
    scf.if %cond3A_49 {
      %broadcast_in_dim3A_56 = arith.constant 0.000000e+00 : f32
      %broadcast_in_dim3A_57 = vector.broadcast %broadcast_in_dim3A_56 : f32 to vector<1x128xf32>
      %swap3A_58 = arith.constant 0 : index
      %swap3A_59 = arith.constant 0 : index
      %swap3A_60 = vector.load %arg4[%swap3A_58, %swap3A_59] : memref<1x128xf32, #tpu.memory_space<vmem>>, vector<1x128xf32>
      tpu.vector_store %arg4[%swap3A_58, %swap3A_59], %broadcast_in_dim3A_57 {strides = array<i32>} : memref<1x128xf32, #tpu.memory_space<vmem>>, vector<1x128xf32>,
    } else {
    }
    %get3A_50 = arith.constant 0 : index
    %get3A_51 = arith.constant 0 : index
    %get3A_52 = vector.load %arg4[%get3A_50, %get3A_51] : memref<1x128xf32, #tpu.memory_space<vmem>>, vector<1x128xf32>
    %add3A_53 = arith.addf %get3A_52, %broadcast_in_dim3A_46 : vector<1x128xf32>
    %swap3A = arith.constant 0 : index
    %swap3A_54 = arith.constant 0 : index
    %swap3A_55 = vector.load %arg4[%swap3A, %swap3A_54] : memref<1x128xf32, #tpu.memory_space<vmem>>, vector<1x128xf32>
    tpu.vector_store %arg4[%swap3A, %swap3A_54], %add3A_53 {strides = array<i32>} : memref<1x128xf32, #tpu.memory_space<vmem>>, vector<1x128xf32>,
    return
  }
  func.func @transform_0(%arg0: i32) -> (i32, i32) {
    %add3A = arith.constant 8 : i32
    %add3A_0 = arith.addi %add3A, %arg0 : i32
    %c0_i32 = arith.constant 0 : i32
    %c0_i32_1 = arith.constant 0 : i32
    return %add3A_0, %c0_i32 : i32, i32
  }
  func.func @transform_1(%arg0: i32) -> (i32, i32) {
    %add3A = arith.constant 8 : i32
    %add3A_0 = arith.addi %add3A, %arg0 : i32
    %c0_i32 = arith.constant 0 : i32
    %c0_i32_1 = arith.constant 0 : i32
    return %add3A_0, %c0_i32 : i32, i32
  }
  func.func @transform_2(%arg0: i32) -> (i32, i32) {
    %c0_i32 = arith.constant 0 : i32
    %c0_i32_0 = arith.constant 0 : i32
    %c0_i32_1 = arith.constant 0 : i32
    return %c0_i32, %c0_i32_0 : i32, i32
  }
  func.func @transform_3(%arg0: i32) -> (i32, i32) {
    %c0_i32 = arith.constant 0 : i32
    %c0_i32_0 = arith.constant 0 : i32
    %c0_i32_1 = arith.constant 0 : i32
    return %c0_i32, %c0_i32_0 : i32, i32
  }
}

</mosaic_0001>

<sc_bundles>
// kernel: kernel.4.cloned.1.call-start
scs
__scs_entry_jumppad:
0x0: {  	(pc) =	sbr.rel $0x88, $3  }
0x1: {  	(tag) =	ssettag $0x0;
	lr =	simm.s32 $0x1  }
0x2: {  	[smem:$0x3F9E] =	sst lr;
	_ =	strace $0xD0000000  }
0x3: {  	_ = 	snop  }
0x4: {  	_ = 	snop  }
0x5: {  	_ = 	snop  }
0x6: {  	_ = 	snop  }
0x7: {  	_ = 	snop  }
__scs_overlays_trampoline_lowered:
0x8: {  	[smem:$0x3FAD] =	sst s0  }
0x9: {  	[smem:$0x3FAE] =	sst s1  }
0xa: {  	[smem:$0x3FAF] =	sst s2  }
0xb: {  	[smem:$0x3FB0] =	sst s3  }
0xc: {  	[smem:$0x3FB1] =	sst s4  }
0xd: {  	[smem:$0x3FB2] =	sst s5  }
0xe: {  	[smem:$0x3FB3] =	sst s6  }
0xf: {  	[smem:$0x3FB4] =	sst s7  }
0x10: {  	[smem:$0x3FB5] =	sst s8  }
0x11: {  	[smem:$0x3FB6] =	sst s9;
	s0 =	simm.s32 @!p0 $0x0  }
0x12: {  	s1 =	sld [smem:$0x3F9C];
	s0 =	simm.s32 @p0 $0x1  }
0x13: {  	[smem:$0x3FB7] =	sst s0;
	s0 =	simm.s32 @!p1 $0x0  }
0x14: {  	s2 =	sld [smem:$0x3F9B];
	s0 =	simm.s32 @p1 $0x1  }
0x15: {  	[smem:$0x3FB8] =	sst s0;
	s0 =	simm.s32 @!p2 $0x0  }
0x16: {  	s3 =	sld [smem:$0x3FDB];
	s0 =	simm.s32 @p2 $0x1  }
0x17: {  	s4 =	simm.s32 $0x1BF5;
	[smem:$0x3FBA] =	sst s0  }
0x18: {  	s0 =	sld [smem:$0x3F9D];
	_ =	swait.ge [sflag:s4], $0x0  }
0x19: {  	s7 =	sld [smem:$0x3F9E]  }
0x1a: {  	s8 =	sadd.s32 $0xFFFFE003, lr  }
0x1b: {  	s9 =	sadd.s32 $0xFFFFFEF7, lr;
	s5 =	simm.s32 $0xFFFFFFFF;
	p2 =	slt.u32 s8, $0xFFFFF086  }
0x1c: {  	p1 =	slt.u32 s9, $0xF7A;
	s5 =	simm.s32 @!p2 $0x0  }
0x1d: {  	s5 =	simm.s32 @p1 $0x1;
	p0 =	seq.s32 s7, s2  }
0x1e: {  	s7 =	smul.u32 @!p0 $0xF7A, s2;
	p2 =	seq.s32 @!p0 s5, $0x0  }
0x1f: {  	s9 =	smul.u32 $0xF7A, s1;
	s8 =	simm.s32 @!p0 $0x1BF5;
	p2 =	por !p2, p0  }
0x20: {  	[sflag:s8] =	ssyncset.s32 @!p0 $0xFFFFF086;
	s6 =	sadd.s32 @!p0 s3, s7;
	s7 =	simm.s32 @!p0 $0x108  }
0x21: {  	s3 =	sadd.s32 s3, s9;
	s6 =	sadd.s32 @!p0 $0x88, s6;
	s7 =	simm.s32 @p2 $0x1082  }
0x22: {  	[simem:s7], [sflag:s8] =	dma.local @!p0 [hbm:s6], $0xF7A  }
0x23: {  	s9 =	sor.u32 $0xD0000000, s2;
	s6 =	simm.s32 $0x108;
	_ =	swait.ge @!p0 [sflag:s8], $0x0  }
0x24: {  	s3 =	sadd.s32 $0x88, s3;
	s6 =	simm.s32 @!p1 $0x1082;
	[sflag:s4] =	ssyncset.s32 $0xFFFFF086  }
0x25: {  	[simem:s6], [sflag:s4] =	dma.local [hbm:s3], $0xF7A  }
0x26: {  	[smem:$0x3F9E] =	sst s1;
	(tag) =	ssettag s2;
	_ =	strace s9  }
0x27: {  	s1 =	sld [smem:$0x3FAE]  }
0x28: {  	s2 =	sld [smem:$0x3FAF]  }
0x29: {  	s4 =	sld [smem:$0x3FB1]  }
0x2a: {  	p0 =	seq.s32 s5, $0x0;
	s5 =	sld [smem:$0x3FB2]  }
0x2b: {  	s6 =	sld [smem:$0x3FB3]  }
0x2c: {  	s7 =	sld [smem:$0x3FB4]  }
0x2d: {  	s3 =	simm.s32 $0x108;
	s8 =	sld [smem:$0x3FB5]  }
0x2e: {  	s3 =	simm.s32 @!p0 $0x1082;
	s9 =	sld [smem:$0x3FB6]  }
0x2f: {  	lr =	sadd.s32 s0, s3;
	s0 =	sld [smem:$0x3FAD]  }
0x30: {  	s3 =	sld [smem:$0x3FB0]  }
0x31: {  	[smem:$0x3FB9] =	sst s10  }
0x32: {  	s10 =	sld [smem:$0x3FB7];
	_ =	sdelay $0x3  }
0x33: {  	p0 =	seq.s32 s10, $0x1;
	s10 =	sld [smem:$0x3FB9];
	_ =	sdelay $0x3  }
0x34: {  	[smem:$0x3FB9] =	sst s10  }
0x35: {  	s10 =	sld [smem:$0x3FB8];
	_ =	sdelay $0x3  }
0x36: {  	p1 =	seq.s32 s10, $0x1;
	s10 =	sld [smem:$0x3FB9];
	_ =	sdelay $0x3  }
0x37: {  	[smem:$0x3FB9] =	sst s10  }
0x38: {  	s10 =	sld [smem:$0x3FBA]  }
0x39: {  	_ = 	snop;
	(pc) =	sbr.ind lr, $3  }
0x3a: {  	_ = 	snop  }
0x3b: {  	_ = 	snop  }
0x3c: {  	p2 =	seq.s32 s10, $0x1;
	s10 =	sld [smem:$0x3FB9]  }
0x3d: {  	_ =	shalt  }
0x3e: {  	_ =	shalt  }
0x3f: {  	_ =	shalt  }
0x40: {  	_ =	shalt  }
0x41: {  	_ =	shalt  }
0x42: {  	_ =	shalt  }
0x43: {  	_ =	shalt  }
0x44: {  	_ =	shalt  }
0x45: {  	_ =	shalt  }
0x46: {  	_ =	shalt  }
0x47: {  	_ =	shalt  }
0x48: {  	_ =	shalt  }
0x49: {  	_ =	shalt  }
0x4a: {  	_ =	shalt  }
0x4b: {  	_ =	shalt  }
0x4c: {  	_ =	shalt  }
0x4d: {  	_ =	shalt  }
0x4e: {  	_ =	shalt  }
0x4f: {  	_ =	shalt  }
0x50: {  	_ =	shalt  }
0x51: {  	_ =	shalt  }
0x52: {  	_ =	shalt  }
0x53: {  	_ =	shalt  }
0x54: {  	_ =	shalt  }
0x55: {  	_ =	shalt  }
0x56: {  	_ =	shalt  }
0x57: {  	_ =	shalt  }
0x58: {  	_ =	shalt  }
0x59: {  	_ =	shalt  }
0x5a: {  	_ =	shalt  }
0x5b: {  	_ =	shalt  }
0x5c: {  	_ =	shalt  }
0x5d: {  	_ =	shalt  }
0x5e: {  	_ =	shalt  }
0x5f: {  	_ =	shalt  }
0x60: {  	_ =	shalt  }
0x61: {  	_ =	shalt  }
0x62: {  	_ =	shalt  }
0x63: {  	_ =	shalt  }
0x64: {  	_ =	shalt  }
0x65: {  	_ =	shalt  }
0x66: {  	_ =	shalt  }
0x67: {  	_ =	shalt  }
0x68: {  	_ =	shalt  }
0x69: {  	_ =	shalt  }
0x6a: {  	_ =	shalt  }
0x6b: {  	_ =	shalt  }
0x6c: {  	_ =	shalt  }
0x6d: {  	_ =	shalt  }
0x6e: {  	_ =	shalt  }
0x6f: {  	_ =	shalt  }
0x70: {  	_ =	shalt  }
0x71: {  	_ =	shalt  }
0x72: {  	_ =	shalt  }
0x73: {  	_ =	shalt  }
0x74: {  	_ =	shalt  }
0x75: {  	_ =	shalt  }
0x76: {  	_ =	shalt  }
0x77: {  	_ =	shalt  }
0x78: {  	_ =	shalt  }
0x79: {  	_ =	shalt  }
0x7a: {  	_ =	shalt  }
0x7b: {  	_ =	shalt  }
0x7c: {  	_ =	shalt  }
0x7d: {  	_ =	shalt  }
0x7e: {  	_ =	shalt  }
0x7f: {  	_ =	shalt  }
0x80: {  	_ =	shalt  }
0x81: {  	_ =	shalt  }
0x82: {  	_ =	shalt  }
0x83: {  	_ =	shalt  }
0x84: {  	_ =	shalt  }
0x85: {  	_ =	shalt  }
0x86: {  	_ =	shalt  }
0x87: {  	_ =	shalt  }
.Lfunc_end0:
.L_simem_size_0:
called_computation_lowered:
.L_overlay_start_0:
0x88: {  	s2 =	sld [smem:$0x3FD9]  }
0x89: {  	s3 =	sld [smem:$0x3FFE];
	_ =	sdelay $0x1  }
0x8a: {  	s1 =	srdreg.scid  }
0x8b: {  	s0 =	sand.u32 $0x1, s1  }
0x8c: {  	s17 =	sshll.u32 s0, $0xA;
	s2 =	sadd.s32 s3, s2  }
0x8d: {  	s2 =	sadd.s32 s2, s17  }
0x8e: {  	[smem:$0x3FC5] =	sst s2  }
0x8f: {  	_ = 	snop  }
0x90: {  	s2 =	sld [smem:$0x3FC9]  }
0x91: {  	s18 =	sld [smem:$0x3FC8]  }
0x92: {  	s4 =	sld [smem:$0x3FC7];
	(tm) =	ssettm $0x1  }
0x93: {  	s5 =	sld [smem:$0x3FFB];
	_ =	sdelay $0x3  }
0x94: {  	_ =	strace s5  }
0x95: {  	s5 =	sld [smem:$0x3FFC];
	_ =	sdelay $0x3  }
0x96: {  	_ =	strace s5  }
0x97: {  	s5 =	sld [smem:$0x3FFD];
	_ =	sdelay $0x3  }
0x98: {  	_ =	strace s5  }
0x99: {  	_ =	strace $0x8FFFFFFF  }
0x9a: {  	s19 =	sld [smem:$0x3FDB];
	_ =	sdelay $0x1  }
0x9b: {  	s6 =	simm.s32 $_scs_section_size  }
0x9c: {  	s7 =	simm.s32 $_size__tile_overlayer_lowered;
	s8 =	simm.s32 $_tile_overlayer_lowered  }
0x9d: {  	s22 =	simm.s32 $0x1BFF;
	s21 =	sshll.u32 s8, $0x1;
	s5 =	sadd.s32 s6, s19  }
0x9e: {  	s9 =	simm.s32 $0x0;
	s20 =	sshll.u32 s7, $0x1;
	s7 =	sadd.s32 s21, s5  }
0x9f: {  	[timem:s9], [sflag:s22] =	dma.local [hbm:s7], s20  }
0xa0: {  	_ =	swait.ge [sflag:s22], s20  }
0xa1: {  	s6 =	ssub.s32 $0x0, s20;
	[sflag:s22] =	ssyncset.done $0x0  }
0xa2: {  	[sflag:s22] =	ssyncadd.s32 s6;
	_ =	sdelay $0x1  }
0xa3: {  	s23 =	simm.s32 $0x1B8B  }
0xa4: {  	_ =	swait.ge [sflag:s23], $0x1  }
0xa5: {  	[sflag:s23] =	ssyncset.done $0x0  }
0xa6: {  	s25 =	simm.s32 $0x1B8E;
	s24 =	sld [smem:$0x3FFE];
	[sflag:s23] =	ssyncadd.s32 $0xFFFFFFFF  }
0xa7: {  	s26 =	simm.s32 $execute0_lowered;
	[smem:$0x3FD2] =	sst s25  }
0xa8: {  	s7 =	sshll.u32 s26, $0x1;
	_ =	strace $0x80000046;
	[dreg:$0x1] =	wrdreg $0xFFFFFFFF  }
0xa9: {  	s28 =	simm.s32 $_size_execute0_lowered;
	s5 =	sadd.s32 s5, s7;
	[dreg:$0x0] =	wrdreg $0x0  }
0xaa: {  	s7 =	sshll.u32 s28, $0x1;
	[dreg:$0x2] =	wrdreg s5  }
0xab: {  	[dreg:$0x3] =	wrdreg s7  }
0xac: {  	[dreg:$0x4] =	wrdreg $0xC0  }
0xad: {  	_ =	task [dreg:s9], $0x5FFFF  }
0xae: {  	[dreg:$0x1] =	wrdreg $0xFFFFFFFF  }
0xaf: {  	[dreg:$0x0] =	wrdreg $0x60  }
0xb0: {  	[dreg:$0x2] =	wrdreg s2  }
0xb1: {  	[dreg:$0x3] =	wrdreg s18  }
0xb2: {  	[dreg:$0x4] =	wrdreg s4  }
0xb3: {  	[dreg:$0x5] =	wrdreg s24  }
0xb4: {  	[dreg:$0x6] =	wrdreg $0x9  }
0xb5: {  	_ =	task.clear_ibuf [dreg:s9], $0x7FFFF;
	_ =	strace $0x90000046  }
0xb6: {  	s29 =	simm.s32 $0x9;
	_ =	strace $0x80000048  }
0xb7: {  	_ =	swait.ge [sflag:s29], $0x1  }
0xb8: {  	[sflag:s29] =	ssyncadd.s32 $0xFFFFFFFF  }
0xb9: {  	_ =	strace $0x90000048  }
0xba: {  	_ =	sfence  }
0xbb: {  	s30 =	sld [smem:$0x0];
	_ =	sdelay $0x2  }
0xbc: {  	s31 =	sshll.u32 s1, $0xD;
	s1 =	sshrl.u32 s1, $0x2  }
0xbd: {  	s3 =	sand.u32 $0x4000, s31;
	s1 =	sadd.s32 s1, s30  }
0xbe: {  	s0 =	sor.u32 s3, s0;
	s1 =	sshll.u32 s1, $0x11  }
0xbf: {  	s0 =	sor.u32 s1, s0  }
0xc0: {  	s0 =	sadd.s32 $0x8F2B, s0  }
0xc1: {  	[sflag:s0] =	ssyncadd.remote.s32 $0x1  }
0xc2: {  	_ =	sfence.sel $0xFFFF  }
0xc3: {  	[dreg:$0x0] =	wrdreg $0xFFFFFFFF;
	(pc) =	sbr.abs _section_cstart, $3  }
0xc4: {  	[dreg:$0x1] =	wrdreg $0xFFFFFFFF  }
0xc5: {  	_ =	task.clear_ibuf [dreg:s9], $0x2FFFF;
	_ =	strace $0x9FFFFFFF  }
0xc6: {  	(tm) =	ssettm $0x7FFFFFFF  }
0xc7: {  	_ =	shalt  }
tec
execute0_lowered:
.L_overlay_start_1:
0x0: {  	(tag) =	ssettag $0x1  }
0x1: {  	s1 =	rddreg [dreg:$0x0]  }
0x2: {  	s2 =	rddreg [dreg:$0x1]  }
0x3: {  	s4 =	rddreg [dreg:$0x2]  }
0x4: {  	s10 =	rddreg [dreg:$0x3];
	s5 =	srdreg.scid  }
0x5: {  	s0 =	rddreg [dreg:$0x4];
	s3 =	stileid.u32;
	s13 =	simm.s32 $0x100  }
0x6: {  	s14 =	simm.s32 $0x4100;
	s15 =	simm.s32 $0x8100;
	s16 =	simm.s32 $0xC100  }
0x7: {  	s17 =	simm.s32 $0x1;
	s18 =	simm.s32 $0x2;
	s19 =	simm.s32 $0x3  }
0x8: {  	s20 =	simm.s32 $0x4;
	s21 =	simm.s32 $0x10100;
	s22 =	simm.s32 $0x0  }
0x9: {  	s6 =	sand.u32 $0x1, s5;
	s5 =	simm.s32 $0x0;
	s8 =	sshll.u32 s3, $0x1  }
0xa: {  	s7 =	ssub.s32 $0x2, s6;
	[smem:$0x7FF] =	sst s5;
	s8 =	sor.u32 s6, s8  }
0xb: {  	s9 =	sshrl.u32 s7, $0x1;
	_ =	strace $0x80000047;
	s31 =	sshll.u32 s8, $0xF  }
0xc: {  	s6 =	sshll.u32 s8, $0x12;
	s12 =	sshll.u32 s8, $0x4;
	s11 =	ssub.s32 s7, s9  }
0xd: {  	s7 =	sadd.s32 s1, s31;
	s8 =	sadd.s32 s2, s31;
	s9 =	sor.u32 $0x8000, s6  }
0xe: {  	s10 =	sadd.s32 s10, s12;
	s12 =	simm.s32 $0x5;
	s11 =	smax.u32 s11, $0x1  }
.LBB2_1:
0xf: {  	[tilespmem:s5], [sflag:$0x5] =	stream.linear.gather [hbm4b:s4+s5], $0x100, $0x38;
	[tilespmem:$0x10180] =	vst v63  }
0x10: {  	_ =	swait.ge [sflag:s12], $0x100  }
0x11: {  	[sflag:s12] =	ssyncset.done $0x0  }
0x12: {  	[sflag:s12] =	ssyncadd.s32 $0xFFFFFF00  }
0x13: {  	[tilespmem:s13], [sflag:$0x1] =	stream.linear.gather [hbm4b:s7+s5], $0x4000, $0x38;
	[tilespmem:$0x10180] =	vst v63  }
0x14: {  	v12 =	vimm.f32 $0.0e+00;
	s23 =	simm.s32 $0x0  }
0x15: {  	v2 =	vimm.f32 $0.0e+00;
	v1 =	vimm.f32 $0.0e+00;
	v0 =	vimm.f32 $0.0e+00;
	[tilespmem:s14], [sflag:$0x2] =	stream.linear.gather [hbm4b:s8+s5], $0x4000, $0x38;
	[tilespmem:$0x10180] =	vst v63  }
.LBB2_2:
0x16: {  	s24 =	sshll.u32 s23, $0xF  }
0x17: {  	s25 =	sor.u32 s24, s6  }
0x18: {  	s25 =	sshrl.u32 s25, $0x3  }
0x19: {  	s25 =	sor.u32 $0x800, s25  }
0x1a: {  	s26 =	sadd.s32 s1, s25  }
0x1b: {  	[tilespmem:s15], [sflag:$0x3] =	stream.linear.gather [hbm4b:s26+s5], $0x4000, $0x38;
	[tilespmem:$0x10180] =	vst v63  }
0x1c: {  	s25 =	sadd.s32 s2, s25  }
0x1d: {  	[tilespmem:s16], [sflag:$0x4] =	stream.linear.gather [hbm4b:s25+s5], $0x4000, $0x38;
	[tilespmem:$0x10180] =	vst v63  }
0x1e: {  	_ =	swait.ge [sflag:s17], $0x4000  }
0x1f: {  	[sflag:s17] =	ssyncset.done $0x0  }
0x20: {  	[sflag:s17] =	ssyncadd.s32 $0xFFFFC000  }
0x21: {  	_ =	swait.ge [sflag:s18], $0x4000  }
0x22: {  	[sflag:s18] =	ssyncset.done $0x0  }
0x23: {  	s31 =	simm.s32 $0x4180;
	[sflag:s18] =	ssyncadd.s32 $0xFFFFC000  }
0x24: {  	v11 =	vld [tilespmem:s31+$0x10]  }
0x25: {  	v5 =	vld [tilespmem:s31+$0xFFFFFF90]  }
0x26: {  	v15 =	vld [tilespmem:s31+$0xFFFFFFC0]  }
0x27: {  	v16 =	vld [tilespmem:s31+$0x50]  }
0x28: {  	v3 =	vld [tilespmem:s31+$0xFFFFFFD0]  }
0x29: {  	v14 =	vld [tilespmem:s31+$0xFFFFFF80]  }
0x2a: {  	v13 =	vld [tilespmem:s31+$0xFFFFFFF0]  }
0x2b: {  	v18 =	vld [tilespmem:s31+$0xFFFFFFA0]  }
0x2c: {  	v19 =	vld [tilespmem:s31+$0xFFFFFFB0]  }
0x2d: {  	v7 =	vld [tilespmem:s31+$0x20]  }
0x2e: {  	v31 =	vld [tilespmem:s31+$0x70]  }
0x2f: {  	v30 =	vld [tilespmem:s31+$0x30]  }
0x30: {  	s25 =	simm.s32 $0x180;
	v35 =	vld [tilespmem:s31+$0x0]  }
0x31: {  	v41 =	vld [tilespmem:s25+$0xFFFFFFF0]  }
0x32: {  	v43 =	vld [tilespmem:s25+$0xFFFFFFA0];
	v4 =	vmax.f32 v11, $-7.000000000e+00  }
0x33: {  	v6 =	vmax.f32 v16, $-7.000000000e+00;
	v9 =	vmax.f32 v5, $-7.000000000e+00;
	v8 =	vmax.f32 v15, $-7.000000000e+00  }
0x34: {  	v20 =	vmax.f32 v3, $-7.000000000e+00;
	v22 =	vmax.f32 v14, $-7.000000000e+00;
	v10 =	vmax.f32 v13, $-7.000000000e+00  }
0x35: {  	v25 =	vmax.f32 v19, $-7.000000000e+00;
	v29 =	vmax.f32 v7, $-7.000000000e+00;
	v32 =	vmax.f32 v31, $-7.000000000e+00  }
0x36: {  	v36 =	vmax.f32 v30, $-7.000000000e+00;
	v42 =	vmax.f32 v35, $-7.000000000e+00;
	v49 =	vsub.f32 v41, v13  }
0x37: {  	v13 =	vsub.f32 v43, v18;
	v4 =	vmin.f32 v4, $7.000000000e+00;
	v6 =	vmin.f32 v6, $7.000000000e+00  }
0x38: {  	v8 =	vmin.f32 v8, $7.000000000e+00;
	v10 =	vmin.f32 v10, $7.000000000e+00;
	v28 =	vmin.f32 v9, $7.000000000e+00  }
0x39: {  	v25 =	vmin.f32 v25, $7.000000000e+00;
	v32 =	vmin.f32 v32, $7.000000000e+00;
	v29 =	vmin.f32 v29, $7.000000000e+00  }
0x3a: {  	v22 =	vmin.f32 v22, $7.000000000e+00;
	v4 =	vmul.f32 $1.821428490e+01, v4;
	v6 =	vmul.f32 $1.821428490e+01, v6  }
0x3b: {  	v17 =	vld [tilespmem:s31+$0xFFFFFFE0];
	v36 =	vmin.f32 v36, $7.000000000e+00;
	v24 =	vmul.f32 $1.821428490e+01, v8;
	v10 =	vmul.f32 $1.821428490e+01, v10  }
0x3c: {  	v42 =	vmin.f32 v42, $7.000000000e+00;
	v28 =	vmul.f32 $1.821428490e+01, v28;
	v25 =	vmul.f32 $1.821428490e+01, v25  }
0x3d: {  	v37 =	vld [tilespmem:s25+$0x70];
	v20 =	vmin.f32 v20, $7.000000000e+00;
	v32 =	vmul.f32 $1.821428490e+01, v32;
	v22 =	vmul.f32 $1.821428490e+01, v22  }
0x3e: {  	v38 =	vld [tilespmem:s25+$0x30];
	v8 =	vmax.f32 v18, $-7.000000000e+00;
	v29 =	vmul.f32 $1.821428490e+01, v29;
	v36 =	vmul.f32 $1.821428490e+01, v36  }
0x3f: {  	v39 =	vld [tilespmem:s25+$0x10];
	v51 =	vmul.f32 $1.821428490e+01, v42;
	v20 =	vmul.f32 $1.821428490e+01, v20;
	v26 =	vmin.f32 v8, $7.000000000e+00  }
0x40: {  	v40 =	vld [tilespmem:s25+$0xFFFFFFB0];
	v21 =	vadd.f32 $1.280000000e+02, v4;
	v4 =	vmax.f32 v17, $-7.000000000e+00;
	v23 =	vadd.f32 $1.280000000e+02, v6  }
0x41: {  	v44 =	vld [tilespmem:s25+$0x50];
	v10 =	vadd.f32 $1.280000000e+02, v10;
	v26 =	vmul.f32 $1.821428490e+01, v26;
	v25 =	vadd.f32 $1.280000000e+02, v25  }
0x42: {  	v45 =	vld [tilespmem:s25+$0xFFFFFFE0];
	v24 =	vadd.f32 $1.280000000e+02, v24;
	v22 =	vadd.f32 $1.280000000e+02, v22;
	v4 =	vmin.f32 v4, $7.000000000e+00  }
0x43: {  	v50 =	vld [tilespmem:s25+$0xFFFFFFC0];
	v32 =	vadd.f32 $1.280000000e+02, v32;
	v4 =	vmul.f32 $1.821428490e+01, v4;
	v33 =	vtrunc.f32 v10  }
0x44: {  	v8 =	vld [tilespmem:s31+$0x60];
	v36 =	vadd.f32 $1.280000000e+02, v36;
	v23 =	vtrunc.f32 v23;
	v25 =	vtrunc.f32 v25  }
0x45: {  	v53 =	vld [tilespmem:s25+$0xFFFFFF80];
	v24 =	vtrunc.f32 v24;
	v22 =	vtrunc.f32 v22;
	v27 =	vadd.f32 $1.280000000e+02, v4  }
0x46: {  	v60 =	vld [tilespmem:s25+$0x0];
	v41 =	vadd.f32 $1.280000000e+02, v51;
	v18 =	vtrunc.f32 v36;
	v23 =	vcvt.f32.s32 v23  }
0x47: {  	v9 =	vld [tilespmem:s25+$0x40];
	v26 =	vadd.f32 $1.280000000e+02, v26;
	v25 =	vcvt.f32.s32 v25;
	v27 =	vtrunc.f32 v27  }
0x48: {  	v6 =	vld [tilespmem:s25+$0xFFFFFF90];
	v36 =	vsub.f32 v50, v15;
	v15 =	vtrunc.f32 v41;
	v27 =	vcvt.f32.s32 v27  }
0x49: {  	v10 =	vld [tilespmem:s25+$0xFFFFFFD0];
	v33 =	vcvt.f32.s32 v33;
	v22 =	vcvt.f32.s32 v22;
	v34 =	vmax.f32 v8, $-7.000000000e+00  }
0x4a: {  	v24 =	vcvt.f32.s32 v24;
	v58 =	vcvt.f32.s32 v15;
	v15 =	vld [tilespmem:s25+$0x60];
	v34 =	vmin.f32 v34, $7.000000000e+00  }
0x4b: {  	v52 =	vcvt.f32.s32 v18;
	v18 =	vsub.f32 v44, v16;
	v4 =	vld [tilespmem:s31+$0x40];
	v16 =	vmul.f32 $1.821428490e+01, v34  }
0x4c: {  	v29 =	vadd.f32 $1.280000000e+02, v29;
	v28 =	vadd.f32 $1.280000000e+02, v28;
	v26 =	vtrunc.f32 v26;
	v23 =	vld.idx.msk [tilespmem:v23+s5+$0x0], $0xffff  }
0x4d: {  	v32 =	vtrunc.f32 v32;
	v26 =	vcvt.f32.s32 v26;
	v16 =	vadd.f32 $1.280000000e+02, v16;
	v25 =	vld.idx.msk [tilespmem:v25+s5+$0x0], $0xffff  }
0x4e: {  	v29 =	vtrunc.f32 v29;
	v32 =	vcvt.f32.s32 v32;
	v27 =	vld.idx.msk [tilespmem:v27+s5+$0x0], $0xffff  }
0x4f: {  	v19 =	vsub.f32 v40, v19;
	v28 =	vtrunc.f32 v28;
	v22 =	vld.idx.msk [tilespmem:v22+s5+$0x0], $0xffff;
	v16 =	vtrunc.f32 v16  }
0x50: {  	v54 =	vcvt.f32.s32 v29;
	v33 =	vld.idx.msk [tilespmem:v33+s5+$0x0], $0xffff;
	v29 =	vcvt.f32.s32 v16;
	v16 =	vadd.f32 $1.280000000e+02, v20  }
0x51: {  	v17 =	vsub.f32 v45, v17;
	v21 =	vtrunc.f32 v21;
	v55 =	vcvt.f32.s32 v28;
	v56 =	vld.idx.msk [tilespmem:v24+s5+$0x0], $0xffff  }
0x52: {  	v57 =	vcvt.f32.s32 v21;
	v21 =	vld.idx.msk [tilespmem:v52+s5+$0x0], $0xffff;
	v24 =	vsub.f32 v53, v14;
	v16 =	vtrunc.f32 v16  }
0x53: {  	v11 =	vsub.f32 v39, v11;
	v26 =	vld.idx.msk [tilespmem:v26+s5+$0x0], $0xffff;
	v23 =	vmul.f32 v18, v23;
	v27 =	vmul.f32 v17, v27  }
0x54: {  	v30 =	vsub.f32 v38, v30;
	v59 =	vld.idx.msk [tilespmem:v32+s5+$0x0], $0xffff;
	v61 =	vmul.f32 v19, v25;
	v28 =	vmul.f32 v24, v22  }
0x55: {  	v32 =	vsub.f32 v37, v31;
	v31 =	vld.idx.msk [tilespmem:v58+s5+$0x0], $0xffff;
	v17 =	vmul.f32 v27, v17;
	v27 =	vmul.f32 v49, v33  }
0x56: {  	v46 =	vmax.f32 v4, $-7.000000000e+00;
	v20 =	vmul.f32 v36, v56;
	v22 =	vld.idx.msk [tilespmem:v54+s5+$0x0], $0xffff;
	v34 =	vcvt.f32.s32 v16  }
0x57: {  	v63 =	vmin.f32 v46, $7.000000000e+00;
	v62 =	vmul.f32 v61, v19;
	v25 =	vmul.f32 v27, v49;
	v27 =	vld [tilespmem:s25+$0x20]  }
0x58: {  	v14 =	vmul.f32 v13, v26;
	v26 =	vld.idx.msk [tilespmem:v55+s5+$0x0], $0xffff;
	v19 =	vmul.f32 v20, v36;
	v20 =	vsub.f32 v60, v35  }
0x59: {  	s28 =	simm.s32 $0x4280;
	s26 =	simm.s32 $0x0;
	v36 =	vmul.f32 $1.821428490e+01, v63;
	v35 =	vmul.f32 v32, v59;
	v33 =	vadd.f32 v62, v12;
	v12 =	vld.idx.msk [tilespmem:v57+s5+$0x0], $0xffff  }
.LBB2_3:
0x5a: {  	v16 =	vld [tilespmem:s28+$0x10];
	s26 =	sadd.s32 $0x100, s26;
	v37 =	vsub.f32 v6, v5;
	v5 =	vmul.f32 v30, v21;
	v23 =	vmul.f32 v23, v18;
	s25 =	sadd.s32 $0x100, s25  }
0x5b: {  	v21 =	vmul.f32 v28, v24;
	v6 =	vld [tilespmem:s25+$0xFFFFFF90];
	p0 =	slt.u32 s26, $0x3F00;
	v18 =	vadd.f32 v25, v33;
	v24 =	vmul.f32 v35, v32  }
0x5c: {  	v7 =	vsub.f32 v27, v7;
	v25 =	vadd.f32 $1.280000000e+02, v36;
	v5 =	vmul.f32 v5, v30;
	v27 =	vld.idx.msk [tilespmem:v29+s5+$0x0], $0xffff  }
0x5d: {  	v13 =	vmul.f32 v14, v13;
	v26 =	vmul.f32 v37, v26;
	v28 =	vld [tilespmem:s28+$0x40]  }
0x5e: {  	v22 =	vmul.f32 v7, v22;
	v30 =	vmul.f32 v20, v31;
	v29 =	vld.idx.msk [tilespmem:v34+s5+$0x0], $0xffff;
	v18 =	vadd.f32 v5, v18  }
0x5f: {  	v2 =	vadd.f32 v13, v2;
	v25 =	vtrunc.f32 v25;
	v13 =	vmul.f32 v11, v12;
	v5 =	vld [tilespmem:s28+$0xFFFFFF90]  }
0x60: {  	v8 =	vsub.f32 v15, v8;
	v7 =	vmul.f32 v22, v7;
	v14 =	vld [tilespmem:s28+$0xFFFFFFC0];
	v12 =	vadd.f32 v24, v18  }
0x61: {  	v15 =	vmul.f32 v26, v37;
	v2 =	vadd.f32 v17, v2;
	v22 =	vcvt.f32.s32 v25;
	v18 =	vld [tilespmem:s28+$0x50]  }
0x62: {  	v10 =	vsub.f32 v10, v3;
	v24 =	vmul.f32 v30, v20;
	v20 =	vmul.f32 v8, v27;
	v17 =	vld [tilespmem:s28+$0xFFFFFFE0]  }
0x63: {  	v9 =	vsub.f32 v9, v4;
	v1 =	vadd.f32 v15, v1;
	v4 =	vmov v28  }
0x64: {  	v26 =	vmax.f32 v16, $-7.000000000e+00;
	v27 =	vmul.f32 v10, v29;
	v25 =	vmax.f32 v5, $-7.000000000e+00;
	v3 =	vld [tilespmem:s28+$0xFFFFFFD0]  }
0x65: {  	v26 =	vmin.f32 v26, $7.000000000e+00;
	v8 =	vmul.f32 v20, v8;
	v15 =	vld [tilespmem:s28+$0xFFFFFF80];
	v28 =	vmax.f32 v14, $-7.000000000e+00  }
0x66: {  	v2 =	vadd.f32 v7, v2;
	v10 =	vmul.f32 v27, v10;
	v29 =	vld [tilespmem:s28+$0xFFFFFFF0];
	v20 =	vmax.f32 v18, $-7.000000000e+00  }
0x67: {  	v0 =	vadd.f32 v21, v0;
	v7 =	vmul.f32 $1.821428490e+01, v26;
	v20 =	vmin.f32 v20, $7.000000000e+00;
	v22 =	vld.idx.msk [tilespmem:v22+s5+$0x0], $0xffff  }
0x68: {  	v1 =	vadd.f32 v10, v1;
	v10 =	vmul.f32 v13, v11;
	v26 =	vmul.f32 $1.821428490e+01, v20  }
0x69: {  	v27 =	vadd.f32 $1.280000000e+02, v7;
	v2 =	vadd.f32 v8, v2;
	v21 =	vld [tilespmem:s28+$0xFFFFFFB0];
	v20 =	vmax.f32 v3, $-7.000000000e+00  }
0x6a: {  	v0 =	vadd.f32 v19, v0;
	v8 =	vmin.f32 v28, $7.000000000e+00;
	v11 =	vmax.f32 v15, $-7.000000000e+00;
	v13 =	vld [tilespmem:s28+$0xFFFFFFA0]  }
0x6b: {  	v19 =	vmax.f32 v17, $-7.000000000e+00;
	v26 =	vadd.f32 $1.280000000e+02, v26;
	v28 =	vmax.f32 v29, $-7.000000000e+00;
	v7 =	vld [tilespmem:s28+$0x20]  }
0x6c: {  	v30 =	vmul.f32 $1.821428490e+01, v8;
	v8 =	vmin.f32 v19, $7.000000000e+00;
	v1 =	vadd.f32 v10, v1  }
0x6d: {  	v0 =	vadd.f32 v24, v0;
	v10 =	vmin.f32 v28, $7.000000000e+00;
	v22 =	vmul.f32 v9, v22;
	v19 =	vld [tilespmem:s28+$0x70]  }
0x6e: {  	v8 =	vmul.f32 $1.821428490e+01, v8;
	v1 =	vadd.f32 v23, v1;
	v10 =	vmul.f32 $1.821428490e+01, v10  }
0x6f: {  	v24 =	vmax.f32 v21, $-7.000000000e+00;
	v28 =	vmul.f32 v22, v9;
	v23 =	vmax.f32 v13, $-7.000000000e+00  }
0x70: {  	v10 =	vadd.f32 $1.280000000e+02, v10;
	v9 =	vmin.f32 v23, $7.000000000e+00;
	v23 =	vadd.f32 $1.280000000e+02, v8;
	v8 =	vld [tilespmem:s28+$0x60]  }
0x71: {  	v25 =	vmin.f32 v25, $7.000000000e+00;
	v32 =	vmax.f32 v7, $-7.000000000e+00;
	v31 =	vmul.f32 $1.821428490e+01, v9;
	v22 =	vld [tilespmem:s28+$0x30]  }
0x72: {  	v33 =	vtrunc.f32 v10;
	v23 =	vtrunc.f32 v23;
	v10 =	vmax.f32 v19, $-7.000000000e+00  }
0x73: {  	v24 =	vmin.f32 v24, $7.000000000e+00;
	v0 =	vadd.f32 v28, v0;
	v9 =	vld [tilespmem:s25+$0x40];
	v34 =	vmin.f32 v10, $7.000000000e+00  }
0x74: {  	v26 =	vtrunc.f32 v26;
	v28 =	vadd.f32 $1.280000000e+02, v31;
	v31 =	vmin.f32 v32, $7.000000000e+00;
	v10 =	vld [tilespmem:s25+$0xFFFFFFD0]  }
0x75: {  	v25 =	vmul.f32 $1.821428490e+01, v25;
	v11 =	vmin.f32 v11, $7.000000000e+00;
	v35 =	vld [tilespmem:s28+$0x0];
	v32 =	vmax.f32 v8, $-7.000000000e+00  }
0x76: {  	v24 =	vmul.f32 $1.821428490e+01, v24;
	v34 =	vmul.f32 $1.821428490e+01, v34;
	v36 =	vmax.f32 v22, $-7.000000000e+00;
	v37 =	vld [tilespmem:s25+$0x70]  }
0x77: {  	v11 =	vmul.f32 $1.821428490e+01, v11;
	v28 =	vtrunc.f32 v28;
	v32 =	vmin.f32 v32, $7.000000000e+00;
	v38 =	vld [tilespmem:s25+$0x30]  }
0x78: {  	v23 =	vcvt.f32.s32 v23;
	v31 =	vmul.f32 $1.821428490e+01, v31;
	v36 =	vmin.f32 v36, $7.000000000e+00;
	v39 =	vld [tilespmem:s25+$0x10]  }
0x79: {  	v26 =	vcvt.f32.s32 v26;
	v24 =	vadd.f32 $1.280000000e+02, v24;
	v33 =	vcvt.f32.s32 v33;
	v40 =	vld [tilespmem:s25+$0xFFFFFFB0]  }
0x7a: {  	v30 =	vadd.f32 $1.280000000e+02, v30;
	v28 =	vcvt.f32.s32 v28;
	v41 =	vld [tilespmem:s25+$0xFFFFFFF0];
	v42 =	vmax.f32 v35, $-7.000000000e+00  }
0x7b: {  	v24 =	vtrunc.f32 v24;
	v31 =	vadd.f32 $1.280000000e+02, v31;
	v43 =	vld [tilespmem:s25+$0xFFFFFFA0];
	v42 =	vmin.f32 v42, $7.000000000e+00  }
0x7c: {  	v44 =	vadd.f32 $1.280000000e+02, v11;
	v34 =	vadd.f32 $1.280000000e+02, v34;
	v36 =	vmul.f32 $1.821428490e+01, v36;
	v45 =	vld [tilespmem:s25+$0x50]  }
0x7d: {  	v30 =	vtrunc.f32 v30;
	v24 =	vcvt.f32.s32 v24;
	v46 =	vld [tilespmem:s25+$0xFFFFFFE0];
	v11 =	vsub.f32 v39, v16  }
0x7e: {  	v34 =	vtrunc.f32 v34;
	v36 =	vadd.f32 $1.280000000e+02, v36;
	v16 =	vtrunc.f32 v44;
	v23 =	vld.idx.msk [tilespmem:v23+s5+$0x0], $0xffff  }
0x7f: {  	v16 =	vcvt.f32.s32 v16;
	v39 =	vsub.f32 v41, v29;
	v26 =	vld.idx.msk [tilespmem:v26+s5+$0x0], $0xffff;
	v29 =	vcvt.f32.s32 v34  }
0x80: {  	v30 =	vcvt.f32.s32 v30;
	v34 =	vtrunc.f32 v36;
	v13 =	vsub.f32 v43, v13;
	v33 =	vld.idx.msk [tilespmem:v33+s5+$0x0], $0xffff  }
0x81: {  	v25 =	vadd.f32 $1.280000000e+02, v25;
	v41 =	vmul.f32 $1.821428490e+01, v42;
	v34 =	vcvt.f32.s32 v34;
	v36 =	vld [tilespmem:s25+$0xFFFFFFC0]  }
0x82: {  	v27 =	vtrunc.f32 v27;
	v31 =	vtrunc.f32 v31;
	v28 =	vld.idx.msk [tilespmem:v28+s5+$0x0], $0xffff;
	v17 =	vsub.f32 v46, v17  }
0x83: {  	v25 =	vtrunc.f32 v25;
	v18 =	vsub.f32 v45, v18;
	v42 =	vld.idx.msk [tilespmem:v24+s5+$0x0], $0xffff;
	v24 =	vmul.f32 $1.821428490e+01, v32  }
0x84: {  	v31 =	vcvt.f32.s32 v31;
	v41 =	vadd.f32 $1.280000000e+02, v41;
	v32 =	vld [tilespmem:s25+$0xFFFFFF80];
	v43 =	vmul.f32 v17, v23  }
0x85: {  	v44 =	vcvt.f32.s32 v25;
	v23 =	vmul.f32 v18, v26;
	v16 =	vld.idx.msk [tilespmem:v16+s5+$0x0], $0xffff;
	v24 =	vadd.f32 $1.280000000e+02, v24  }
0x86: {  	v30 =	vld.idx.msk [tilespmem:v30+s5+$0x0], $0xffff;
	v36 =	vsub.f32 v36, v14;
	v17 =	vmul.f32 v43, v17;
	v14 =	vtrunc.f32 v41  }
0x87: {  	v40 =	vsub.f32 v40, v21;
	v25 =	vmul.f32 v39, v33;
	v41 =	vcvt.f32.s32 v27;
	v21 =	vld.idx.msk [tilespmem:v34+s5+$0x0], $0xffff  }
0x88: {  	v20 =	vmin.f32 v20, $7.000000000e+00;
	v33 =	vcvt.f32.s32 v14;
	v26 =	vtrunc.f32 v24;
	v43 =	vld.idx.msk [tilespmem:v29+s5+$0x0], $0xffff  }
0x89: {  	v20 =	vmul.f32 $1.821428490e+01, v20;
	v14 =	vmul.f32 v13, v28;
	v24 =	vsub.f32 v32, v15;
	v45 =	vld [tilespmem:s25+$0x0]  }
0x8a: {  	v34 =	vmul.f32 v40, v42;
	v42 =	vmax.f32 v4, $-7.000000000e+00;
	v29 =	vcvt.f32.s32 v26;
	v15 =	vld [tilespmem:s25+$0x60]  }
.Ltmp0:
0x8b: {  	v25 =	vmul.f32 v25, v39;
	v28 =	vmul.f32 v24, v16;
	v16 =	vadd.f32 $1.280000000e+02, v20;
	v27 =	vld [tilespmem:s25+$0x20];
	(pc) =	sbr.rel @p0 .LBB2_3-.Ltmp0, $4  }
0x8c: {  	v32 =	vsub.f32 v37, v19;
	v20 =	vmul.f32 v36, v30;
	v30 =	vsub.f32 v38, v22;
	v26 =	vld.idx.msk [tilespmem:v44+s5+$0x0], $0xffff  }
0x8d: {  	v37 =	vmul.f32 v34, v40;
	v38 =	vmin.f32 v42, $7.000000000e+00;
	v16 =	vtrunc.f32 v16;
	v22 =	vld.idx.msk [tilespmem:v31+s5+$0x0], $0xffff  }
0x8e: {  	v19 =	vmul.f32 v20, v36;
	v34 =	vcvt.f32.s32 v16;
	v31 =	vld.idx.msk [tilespmem:v33+s5+$0x0], $0xffff;
	v20 =	vsub.f32 v45, v35  }
0x8f: {  	s28 =	sadd.s32 $0x100, s28;
	v36 =	vmul.f32 $1.821428490e+01, v38;
	v33 =	vadd.f32 v37, v12;
	v35 =	vmul.f32 v32, v43;
	v12 =	vld.idx.msk [tilespmem:v41+s5+$0x0], $0xffff  }
0x90: {  	_ = 	snop  }
0x91: {  	v16 =	vadd.f32 $1.280000000e+02, v36;
	_ =	sdelay $0x1  }
0x92: {  	v16 =	vtrunc.f32 v16  }
0x93: {  	v16 =	vcvt.f32.s32 v16;
	_ =	sdelay $0x2  }
0x94: {  	s24 =	sadd.s32 s24, s9  }
0x95: {  	v29 =	vld.idx.msk [tilespmem:v29+s5+$0x0], $0xffff;
	s24 =	sshrl.u32 s24, $0x3  }
0x96: {  	v34 =	vld.idx.msk [tilespmem:v34+s5+$0x0], $0xffff;
	s25 =	sadd.s32 s1, s24  }
0x97: {  	v16 =	vld.idx.msk [tilespmem:v16+s5+$0x0], $0xffff;
	[tilespmem:s13], [sflag:$0x1] =	stream.linear.gather [hbm4b:s25+s5], $0x4000, $0x38  }
0x98: {  	s24 =	sadd.s32 s2, s24  }
0x99: {  	[tilespmem:s14], [sflag:$0x2] =	stream.linear.gather [hbm4b:s24+s5], $0x4000, $0x38;
	[tilespmem:$0x10180] =	vst v63  }
0x9a: {  	_ =	swait.ge [sflag:s19], $0x4000  }
0x9b: {  	v5 =	vsub.f32 v6, v5;
	[sflag:s19] =	ssyncset.done $0x0  }
0x9c: {  	v21 =	vmul.f32 v30, v21;
	v6 =	vmul.f32 v28, v24;
	[sflag:s19] =	ssyncadd.s32 $0xFFFFC000  }
0x9d: {  	v13 =	vmul.f32 v14, v13;
	v3 =	vsub.f32 v10, v3;
	v24 =	vmul.f32 v5, v26;
	_ =	swait.ge [sflag:s20], $0x4000  }
0x9e: {  	v7 =	vsub.f32 v27, v7;
	v10 =	vadd.f32 v25, v33;
	v21 =	vmul.f32 v21, v30;
	[sflag:s20] =	ssyncset.done $0x0  }
0x9f: {  	s31 =	simm.s32 $0xC180;
	v2 =	vadd.f32 v13, v2;
	v5 =	vmul.f32 v24, v5;
	v13 =	vmul.f32 v3, v34;
	[sflag:s20] =	ssyncadd.s32 $0xFFFFC000  }
0xa0: {  	v4 =	vsub.f32 v9, v4;
	v22 =	vmul.f32 v7, v22;
	v10 =	vadd.f32 v21, v10;
	v21 =	vld [tilespmem:s31+$0x10]  }
0xa1: {  	v12 =	vmul.f32 v11, v12;
	v5 =	vadd.f32 v5, v1;
	v3 =	vmul.f32 v13, v3;
	v1 =	vld [tilespmem:s31+$0xFFFFFF90]  }
0xa2: {  	v0 =	vadd.f32 v6, v0;
	v14 =	vmul.f32 v20, v31;
	v2 =	vadd.f32 v17, v2;
	v13 =	vld [tilespmem:s31+$0xFFFFFFC0]  }
0xa3: {  	v7 =	vmul.f32 v22, v7;
	v3 =	vadd.f32 v3, v5;
	v5 =	vmul.f32 v12, v11;
	v17 =	vld [tilespmem:s31+$0x50]  }
0xa4: {  	v9 =	vmul.f32 v14, v20;
	v11 =	vadd.f32 v19, v0;
	v14 =	vmul.f32 v4, v16;
	v0 =	vld [tilespmem:s31+$0xFFFFFFD0]  }
0xa5: {  	v18 =	vmul.f32 v23, v18;
	v8 =	vsub.f32 v15, v8;
	v3 =	vadd.f32 v5, v3;
	v15 =	vld [tilespmem:s31+$0xFFFFFF80]  }
0xa6: {  	v2 =	vadd.f32 v7, v2;
	v7 =	vmul.f32 v14, v4;
	v14 =	vld [tilespmem:s31+$0xFFFFFFF0]  }
0xa7: {  	v5 =	vadd.f32 v9, v11;
	v4 =	vadd.f32 v18, v3;
	v18 =	vld [tilespmem:s31+$0xFFFFFFA0]  }
0xa8: {  	v19 =	vld [tilespmem:s31+$0xFFFFFFB0]  }
0xa9: {  	v5 =	vadd.f32 v7, v5;
	v7 =	vld [tilespmem:s31+$0x20]  }
0xaa: {  	v6 =	vmul.f32 v8, v29;
	v31 =	vld [tilespmem:s31+$0x70]  }
0xab: {  	v29 =	vld [tilespmem:s31+$0x30]  }
0xac: {  	v23 =	vmul.f32 v35, v32;
	v6 =	vmul.f32 v6, v8;
	s24 =	simm.s32 $0x8180;
	v34 =	vld [tilespmem:s31+$0x0]  }
0xad: {  	v41 =	vld [tilespmem:s24+$0xFFFFFFF0]  }
0xae: {  	v12 =	vadd.f32 v23, v10;
	v6 =	vadd.f32 v6, v2;
	v43 =	vld [tilespmem:s24+$0xFFFFFFA0]  }
0xaf: {  	v2 =	vmax.f32 v21, $-7.000000000e+00;
	v3 =	vmax.f32 v17, $-7.000000000e+00;
	v9 =	vmax.f32 v1, $-7.000000000e+00  }
0xb0: {  	v8 =	vmax.f32 v13, $-7.000000000e+00;
	v20 =	vmax.f32 v0, $-7.000000000e+00;
	v11 =	vmax.f32 v15, $-7.000000000e+00  }
0xb1: {  	v10 =	vmax.f32 v14, $-7.000000000e+00;
	v25 =	vmax.f32 v19, $-7.000000000e+00;
	v30 =	vmax.f32 v7, $-7.000000000e+00  }
0xb2: {  	v46 =	vmax.f32 v31, $-7.000000000e+00;
	v49 =	vmax.f32 v29, $-7.000000000e+00;
	v42 =	vmax.f32 v34, $-7.000000000e+00  }
0xb3: {  	v50 =	vsub.f32 v41, v14;
	v14 =	vsub.f32 v43, v18;
	v2 =	vmin.f32 v2, $7.000000000e+00  }
0xb4: {  	v3 =	vmin.f32 v3, $7.000000000e+00;
	v8 =	vmin.f32 v8, $7.000000000e+00;
	v10 =	vmin.f32 v10, $7.000000000e+00  }
0xb5: {  	v28 =	vmin.f32 v9, $7.000000000e+00;
	v25 =	vmin.f32 v25, $7.000000000e+00;
	v32 =	vmin.f32 v46, $7.000000000e+00  }
0xb6: {  	v16 =	vld [tilespmem:s31+$0xFFFFFFE0];
	v30 =	vmin.f32 v30, $7.000000000e+00;
	v11 =	vmin.f32 v11, $7.000000000e+00;
	v2 =	vmul.f32 $1.821428490e+01, v2  }
0xb7: {  	v36 =	vmin.f32 v49, $7.000000000e+00;
	v3 =	vmul.f32 $1.821428490e+01, v3;
	v24 =	vmul.f32 $1.821428490e+01, v8  }
0xb8: {  	v42 =	vmin.f32 v42, $7.000000000e+00;
	v10 =	vmul.f32 $1.821428490e+01, v10;
	v28 =	vmul.f32 $1.821428490e+01, v28  }
0xb9: {  	v37 =	vld [tilespmem:s24+$0x70];
	v20 =	vmin.f32 v20, $7.000000000e+00;
	v25 =	vmul.f32 $1.821428490e+01, v25;
	v32 =	vmul.f32 $1.821428490e+01, v32  }
0xba: {  	v38 =	vld [tilespmem:s24+$0x30];
	v8 =	vmax.f32 v18, $-7.000000000e+00;
	v11 =	vmul.f32 $1.821428490e+01, v11;
	v30 =	vmul.f32 $1.821428490e+01, v30  }
0xbb: {  	v39 =	vld [tilespmem:s24+$0x10];
	v36 =	vmul.f32 $1.821428490e+01, v36;
	v22 =	vadd.f32 $1.280000000e+02, v2;
	v2 =	vmax.f32 v16, $-7.000000000e+00  }
0xbc: {  	v40 =	vld [tilespmem:s24+$0xFFFFFFB0];
	v53 =	vmul.f32 $1.821428490e+01, v42;
	v20 =	vmul.f32 $1.821428490e+01, v20;
	v2 =	vmin.f32 v2, $7.000000000e+00  }
0xbd: {  	v45 =	vld [tilespmem:s24+$0x50];
	v23 =	vadd.f32 $1.280000000e+02, v3;
	v10 =	vadd.f32 $1.280000000e+02, v10;
	v2 =	vmul.f32 $1.821428490e+01, v2  }
0xbe: {  	v52 =	vld [tilespmem:s24+$0xFFFFFFC0];
	v26 =	vmin.f32 v8, $7.000000000e+00;
	v25 =	vadd.f32 $1.280000000e+02, v25;
	v24 =	vadd.f32 $1.280000000e+02, v24  }
0xbf: {  	v54 =	vld [tilespmem:s24+$0xFFFFFF80];
	v26 =	vmul.f32 $1.821428490e+01, v26;
	v30 =	vadd.f32 $1.280000000e+02, v30;
	v27 =	vadd.f32 $1.280000000e+02, v2  }
0xc0: {  	v60 =	vld [tilespmem:s24+$0x0];
	v44 =	vadd.f32 $1.280000000e+02, v11;
	v47 =	vtrunc.f32 v10;
	v23 =	vtrunc.f32 v23  }
0xc1: {  	v9 =	vld [tilespmem:s24+$0x40];
	v32 =	vadd.f32 $1.280000000e+02, v32;
	v23 =	vcvt.f32.s32 v23;
	v27 =	vtrunc.f32 v27  }
0xc2: {  	v46 =	vld [tilespmem:s24+$0xFFFFFFE0];
	v26 =	vadd.f32 $1.280000000e+02, v26;
	v25 =	vtrunc.f32 v25;
	v27 =	vcvt.f32.s32 v27  }
0xc3: {  	v8 =	vld [tilespmem:s31+$0x60];
	v11 =	vsub.f32 v39, v21;
	v24 =	vtrunc.f32 v24;
	v33 =	vcvt.f32.s32 v47  }
0xc4: {  	v3 =	vld [tilespmem:s24+$0xFFFFFF90];
	v36 =	vadd.f32 $1.280000000e+02, v36;
	v25 =	vcvt.f32.s32 v25;
	v26 =	vtrunc.f32 v26  }
0xc5: {  	v28 =	vadd.f32 $1.280000000e+02, v28;
	v10 =	vld [tilespmem:s24+$0xFFFFFFD0];
	v21 =	vtrunc.f32 v44;
	v26 =	vcvt.f32.s32 v26  }
0xc6: {  	v41 =	vadd.f32 $1.280000000e+02, v53;
	v32 =	vtrunc.f32 v32;
	v21 =	vcvt.f32.s32 v21;
	v2 =	vld [tilespmem:s31+$0x40]  }
0xc7: {  	v51 =	vtrunc.f32 v36;
	v36 =	vsub.f32 v52, v13;
	v18 =	vcvt.f32.s32 v24;
	v23 =	vld.idx.msk [tilespmem:v23+s5+$0x0], $0xffff  }
0xc8: {  	v13 =	vtrunc.f32 v41;
	v32 =	vcvt.f32.s32 v32;
	v48 =	vmax.f32 v8, $-7.000000000e+00;
	v27 =	vld.idx.msk [tilespmem:v27+s5+$0x0], $0xffff  }
0xc9: {  	v22 =	vtrunc.f32 v22;
	v41 =	vcvt.f32.s32 v13;
	v35 =	vmin.f32 v48, $7.000000000e+00;
	v24 =	vld.idx.msk [tilespmem:v33+s5+$0x0], $0xffff  }
0xca: {  	v20 =	vadd.f32 $1.280000000e+02, v20;
	v35 =	vmul.f32 $1.821428490e+01, v35;
	v33 =	vcvt.f32.s32 v51;
	v25 =	vld.idx.msk [tilespmem:v25+s5+$0x0], $0xffff  }
0xcb: {  	v16 =	vsub.f32 v46, v16;
	v30 =	vtrunc.f32 v30;
	v28 =	vtrunc.f32 v28;
	v26 =	vld.idx.msk [tilespmem:v26+s5+$0x0], $0xffff  }
0xcc: {  	v55 =	vcvt.f32.s32 v30;
	v56 =	vcvt.f32.s32 v28;
	v28 =	vadd.f32 $1.280000000e+02, v35;
	v30 =	vld.idx.msk [tilespmem:v21+s5+$0x0], $0xffff  }
0xcd: {  	v17 =	vsub.f32 v45, v17;
	v20 =	vtrunc.f32 v20;
	v57 =	vld.idx.msk [tilespmem:v18+s5+$0x0], $0xffff;
	v27 =	vmul.f32 v16, v27  }
0xce: {  	v58 =	vcvt.f32.s32 v22;
	v59 =	vld.idx.msk [tilespmem:v32+s5+$0x0], $0xffff;
	v32 =	vsub.f32 v37, v31;
	v22 =	vtrunc.f32 v28  }
0xcf: {  	v31 =	vld.idx.msk [tilespmem:v41+s5+$0x0], $0xffff;
	v23 =	vmul.f32 v17, v23;
	v18 =	vmul.f32 v27, v16;
	v16 =	vsub.f32 v40, v19  }
0xd0: {  	v21 =	vld.idx.msk [tilespmem:v33+s5+$0x0], $0xffff;
	v13 =	vmul.f32 v14, v26;
	v19 =	vmul.f32 v50, v24;
	v24 =	vsub.f32 v54, v15  }
0xd1: {  	v29 =	vsub.f32 v38, v29;
	v26 =	vld [tilespmem:s24+$0x20];
	v61 =	vmul.f32 v16, v25;
	v25 =	vcvt.f32.s32 v22  }
0xd2: {  	v62 =	vmax.f32 v2, $-7.000000000e+00;
	v15 =	vld [tilespmem:s24+$0x60];
	v28 =	vmul.f32 v24, v30;
	v30 =	vmul.f32 v19, v50  }
0xd3: {  	v63 =	vmin.f32 v62, $7.000000000e+00;
	v27 =	vld.idx.msk [tilespmem:v56+s5+$0x0], $0xffff;
	v19 =	vmul.f32 v36, v57;
	v16 =	vmul.f32 v61, v16  }
0xd4: {  	v35 =	vmul.f32 v32, v59;
	v33 =	vcvt.f32.s32 v20;
	v20 =	vsub.f32 v60, v34;
	v22 =	vld.idx.msk [tilespmem:v55+s5+$0x0], $0xffff  }
0xd5: {  	s26 =	simm.s32 $0xC280;
	s25 =	simm.s32 $0x0;
	v19 =	vmul.f32 v19, v36;
	v36 =	vmul.f32 $1.821428490e+01, v63;
	v34 =	vadd.f32 v16, v12;
	v12 =	vld.idx.msk [tilespmem:v58+s5+$0x0], $0xffff  }
.LBB2_5:
0xd6: {  	v16 =	vld [tilespmem:s26+$0x10];
	s25 =	sadd.s32 $0x100, s25;
	v37 =	vsub.f32 v3, v1;
	v1 =	vmul.f32 v29, v21;
	v23 =	vmul.f32 v23, v17;
	s24 =	sadd.s32 $0x100, s24  }
0xd7: {  	v21 =	vmul.f32 v28, v24;
	v3 =	vld [tilespmem:s24+$0xFFFFFF90];
	p0 =	slt.u32 s25, $0x3F00;
	v17 =	vadd.f32 v30, v34;
	v24 =	vmul.f32 v35, v32  }
0xd8: {  	v7 =	vsub.f32 v26, v7;
	v26 =	vadd.f32 $1.280000000e+02, v36;
	v1 =	vmul.f32 v1, v29;
	v25 =	vld.idx.msk [tilespmem:v25+s5+$0x0], $0xffff  }
0xd9: {  	v13 =	vmul.f32 v13, v14;
	v27 =	vmul.f32 v37, v27;
	v28 =	vld [tilespmem:s26+$0x40]  }
0xda: {  	v22 =	vmul.f32 v7, v22;
	v29 =	vmul.f32 v20, v31;
	v14 =	vld.idx.msk [tilespmem:v33+s5+$0x0], $0xffff;
	v17 =	vadd.f32 v1, v17  }
0xdb: {  	v6 =	vadd.f32 v13, v6;
	v26 =	vtrunc.f32 v26;
	v30 =	vmul.f32 v11, v12;
	v1 =	vld [tilespmem:s26+$0xFFFFFF90]  }
0xdc: {  	v8 =	vsub.f32 v15, v8;
	v7 =	vmul.f32 v22, v7;
	v13 =	vld [tilespmem:s26+$0xFFFFFFC0];
	v12 =	vadd.f32 v24, v17  }
0xdd: {  	v15 =	vmul.f32 v27, v37;
	v6 =	vadd.f32 v18, v6;
	v22 =	vcvt.f32.s32 v26;
	v17 =	vld [tilespmem:s26+$0x50]  }
0xde: {  	v10 =	vsub.f32 v10, v0;
	v24 =	vmul.f32 v29, v20;
	v20 =	vmul.f32 v8, v25;
	v18 =	vld [tilespmem:s26+$0xFFFFFFE0]  }
0xdf: {  	v9 =	vsub.f32 v9, v2;
	v4 =	vadd.f32 v15, v4;
	v2 =	vmov v28  }
0xe0: {  	v26 =	vmax.f32 v16, $-7.000000000e+00;
	v14 =	vmul.f32 v10, v14;
	v25 =	vmax.f32 v1, $-7.000000000e+00;
	v0 =	vld [tilespmem:s26+$0xFFFFFFD0]  }
0xe1: {  	v26 =	vmin.f32 v26, $7.000000000e+00;
	v8 =	vmul.f32 v20, v8;
	v15 =	vld [tilespmem:s26+$0xFFFFFF80];
	v27 =	vmax.f32 v13, $-7.000000000e+00  }
0xe2: {  	v6 =	vadd.f32 v7, v6;
	v10 =	vmul.f32 v14, v10;
	v28 =	vld [tilespmem:s26+$0xFFFFFFF0];
	v20 =	vmax.f32 v17, $-7.000000000e+00  }
0xe3: {  	v5 =	vadd.f32 v21, v5;
	v7 =	vmul.f32 $1.821428490e+01, v26;
	v14 =	vmin.f32 v20, $7.000000000e+00;
	v22 =	vld.idx.msk [tilespmem:v22+s5+$0x0], $0xffff  }
0xe4: {  	v4 =	vadd.f32 v10, v4;
	v10 =	vmul.f32 v30, v11;
	v14 =	vmul.f32 $1.821428490e+01, v14  }
0xe5: {  	v26 =	vadd.f32 $1.280000000e+02, v7;
	v6 =	vadd.f32 v8, v6;
	v21 =	vld [tilespmem:s26+$0xFFFFFFB0];
	v20 =	vmax.f32 v0, $-7.000000000e+00  }
0xe6: {  	v5 =	vadd.f32 v19, v5;
	v8 =	vmin.f32 v27, $7.000000000e+00;
	v11 =	vmax.f32 v15, $-7.000000000e+00;
	v29 =	vld [tilespmem:s26+$0xFFFFFFA0]  }
0xe7: {  	v19 =	vmax.f32 v18, $-7.000000000e+00;
	v14 =	vadd.f32 $1.280000000e+02, v14;
	v27 =	vmax.f32 v28, $-7.000000000e+00;
	v7 =	vld [tilespmem:s26+$0x20]  }
0xe8: {  	v30 =	vmul.f32 $1.821428490e+01, v8;
	v8 =	vmin.f32 v19, $7.000000000e+00;
	v4 =	vadd.f32 v10, v4  }
0xe9: {  	v5 =	vadd.f32 v24, v5;
	v10 =	vmin.f32 v27, $7.000000000e+00;
	v22 =	vmul.f32 v9, v22;
	v19 =	vld [tilespmem:s26+$0x70]  }
0xea: {  	v8 =	vmul.f32 $1.821428490e+01, v8;
	v4 =	vadd.f32 v23, v4;
	v10 =	vmul.f32 $1.821428490e+01, v10  }
0xeb: {  	v24 =	vmax.f32 v21, $-7.000000000e+00;
	v27 =	vmul.f32 v22, v9;
	v23 =	vmax.f32 v29, $-7.000000000e+00  }
0xec: {  	v10 =	vadd.f32 $1.280000000e+02, v10;
	v9 =	vmin.f32 v23, $7.000000000e+00;
	v23 =	vadd.f32 $1.280000000e+02, v8;
	v8 =	vld [tilespmem:s26+$0x60]  }
0xed: {  	v25 =	vmin.f32 v25, $7.000000000e+00;
	v32 =	vmax.f32 v7, $-7.000000000e+00;
	v31 =	vmul.f32 $1.821428490e+01, v9;
	v22 =	vld [tilespmem:s26+$0x30]  }
0xee: {  	v33 =	vtrunc.f32 v10;
	v23 =	vtrunc.f32 v23;
	v10 =	vmax.f32 v19, $-7.000000000e+00  }
0xef: {  	v24 =	vmin.f32 v24, $7.000000000e+00;
	v5 =	vadd.f32 v27, v5;
	v9 =	vld [tilespmem:s24+$0x40];
	v34 =	vmin.f32 v10, $7.000000000e+00  }
0xf0: {  	v14 =	vtrunc.f32 v14;
	v27 =	vadd.f32 $1.280000000e+02, v31;
	v31 =	vmin.f32 v32, $7.000000000e+00;
	v10 =	vld [tilespmem:s24+$0xFFFFFFD0]  }
0xf1: {  	v25 =	vmul.f32 $1.821428490e+01, v25;
	v11 =	vmin.f32 v11, $7.000000000e+00;
	v35 =	vld [tilespmem:s26+$0x0];
	v32 =	vmax.f32 v8, $-7.000000000e+00  }
0xf2: {  	v24 =	vmul.f32 $1.821428490e+01, v24;
	v34 =	vmul.f32 $1.821428490e+01, v34;
	v36 =	vmax.f32 v22, $-7.000000000e+00;
	v37 =	vld [tilespmem:s24+$0x70]  }
0xf3: {  	v11 =	vmul.f32 $1.821428490e+01, v11;
	v27 =	vtrunc.f32 v27;
	v32 =	vmin.f32 v32, $7.000000000e+00;
	v38 =	vld [tilespmem:s24+$0x30]  }
0xf4: {  	v23 =	vcvt.f32.s32 v23;
	v31 =	vmul.f32 $1.821428490e+01, v31;
	v36 =	vmin.f32 v36, $7.000000000e+00;
	v39 =	vld [tilespmem:s24+$0x10]  }
0xf5: {  	v14 =	vcvt.f32.s32 v14;
	v24 =	vadd.f32 $1.280000000e+02, v24;
	v33 =	vcvt.f32.s32 v33;
	v40 =	vld [tilespmem:s24+$0xFFFFFFB0]  }
0xf6: {  	v30 =	vadd.f32 $1.280000000e+02, v30;
	v27 =	vcvt.f32.s32 v27;
	v41 =	vld [tilespmem:s24+$0xFFFFFFF0];
	v42 =	vmax.f32 v35, $-7.000000000e+00  }
0xf7: {  	v24 =	vtrunc.f32 v24;
	v31 =	vadd.f32 $1.280000000e+02, v31;
	v43 =	vld [tilespmem:s24+$0xFFFFFFA0];
	v42 =	vmin.f32 v42, $7.000000000e+00  }
0xf8: {  	v44 =	vadd.f32 $1.280000000e+02, v11;
	v34 =	vadd.f32 $1.280000000e+02, v34;
	v36 =	vmul.f32 $1.821428490e+01, v36;
	v45 =	vld [tilespmem:s24+$0x50]  }
0xf9: {  	v30 =	vtrunc.f32 v30;
	v24 =	vcvt.f32.s32 v24;
	v46 =	vld [tilespmem:s24+$0xFFFFFFE0];
	v11 =	vsub.f32 v39, v16  }
0xfa: {  	v34 =	vtrunc.f32 v34;
	v36 =	vadd.f32 $1.280000000e+02, v36;
	v16 =	vtrunc.f32 v44;
	v23 =	vld.idx.msk [tilespmem:v23+s5+$0x0], $0xffff  }
0xfb: {  	v34 =	vcvt.f32.s32 v34;
	v16 =	vcvt.f32.s32 v16;
	v39 =	vsub.f32 v41, v28;
	v28 =	vld.idx.msk [tilespmem:v14+s5+$0x0], $0xffff  }
0xfc: {  	v14 =	vsub.f32 v43, v29;
	v29 =	vcvt.f32.s32 v30;
	v30 =	vld.idx.msk [tilespmem:v33+s5+$0x0], $0xffff;
	v33 =	vtrunc.f32 v36  }
0xfd: {  	v25 =	vadd.f32 $1.280000000e+02, v25;
	v41 =	vmul.f32 $1.821428490e+01, v42;
	v36 =	vld [tilespmem:s24+$0xFFFFFFC0];
	v33 =	vcvt.f32.s32 v33  }
0xfe: {  	v26 =	vtrunc.f32 v26;
	v31 =	vtrunc.f32 v31;
	v27 =	vld.idx.msk [tilespmem:v27+s5+$0x0], $0xffff;
	v18 =	vsub.f32 v46, v18  }
0xff: {  	v25 =	vtrunc.f32 v25;
	v17 =	vsub.f32 v45, v17;
	v42 =	vld.idx.msk [tilespmem:v24+s5+$0x0], $0xffff;
	v24 =	vmul.f32 $1.821428490e+01, v32  }
0x100: {  	v31 =	vcvt.f32.s32 v31;
	v41 =	vadd.f32 $1.280000000e+02, v41;
	v32 =	vld [tilespmem:s24+$0xFFFFFF80];
	v43 =	vmul.f32 v18, v23  }
0x101: {  	v44 =	vcvt.f32.s32 v25;
	v23 =	vmul.f32 v17, v28;
	v16 =	vld.idx.msk [tilespmem:v16+s5+$0x0], $0xffff;
	v24 =	vadd.f32 $1.280000000e+02, v24  }
0x102: {  	v29 =	vld.idx.msk [tilespmem:v29+s5+$0x0], $0xffff;
	v36 =	vsub.f32 v36, v13;
	v18 =	vmul.f32 v43, v18;
	v13 =	vtrunc.f32 v41  }
0x103: {  	v40 =	vsub.f32 v40, v21;
	v30 =	vmul.f32 v39, v30;
	v41 =	vcvt.f32.s32 v26;
	v21 =	vld.idx.msk [tilespmem:v33+s5+$0x0], $0xffff  }
0x104: {  	v20 =	vmin.f32 v20, $7.000000000e+00;
	v43 =	vcvt.f32.s32 v13;
	v25 =	vtrunc.f32 v24;
	v45 =	vld.idx.msk [tilespmem:v34+s5+$0x0], $0xffff  }
0x105: {  	v20 =	vmul.f32 $1.821428490e+01, v20;
	v13 =	vmul.f32 v14, v27;
	v24 =	vsub.f32 v32, v15;
	v34 =	vld [tilespmem:s24+$0x0]  }
0x106: {  	v33 =	vmul.f32 v40, v42;
	v42 =	vmax.f32 v2, $-7.000000000e+00;
	v25 =	vcvt.f32.s32 v25;
	v15 =	vld [tilespmem:s24+$0x60]  }
.Ltmp1:
0x107: {  	v30 =	vmul.f32 v30, v39;
	v28 =	vmul.f32 v24, v16;
	v16 =	vadd.f32 $1.280000000e+02, v20;
	v26 =	vld [tilespmem:s24+$0x20];
	(pc) =	sbr.rel @p0 .LBB2_5-.Ltmp1, $4  }
0x108: {  	v32 =	vsub.f32 v37, v19;
	v20 =	vmul.f32 v36, v29;
	v29 =	vsub.f32 v38, v22;
	v27 =	vld.idx.msk [tilespmem:v44+s5+$0x0], $0xffff  }
0x109: {  	v37 =	vmul.f32 v33, v40;
	v38 =	vmin.f32 v42, $7.000000000e+00;
	v16 =	vtrunc.f32 v16;
	v22 =	vld.idx.msk [tilespmem:v31+s5+$0x0], $0xffff  }
0x10a: {  	v19 =	vmul.f32 v20, v36;
	v33 =	vcvt.f32.s32 v16;
	v31 =	vld.idx.msk [tilespmem:v43+s5+$0x0], $0xffff;
	v20 =	vsub.f32 v34, v35  }
0x10b: {  	s26 =	sadd.s32 $0x100, s26;
	v36 =	vmul.f32 $1.821428490e+01, v38;
	v34 =	vadd.f32 v37, v12;
	v35 =	vmul.f32 v32, v45;
	v12 =	vld.idx.msk [tilespmem:v41+s5+$0x0], $0xffff  }
0x10c: {  	_ = 	snop  }
0x10d: {  	v16 =	vadd.f32 $1.280000000e+02, v36;
	_ =	sdelay $0x1  }
0x10e: {  	v16 =	vtrunc.f32 v16  }
0x10f: {  	v16 =	vcvt.f32.s32 v16  }
0x110: {  	v33 =	vld.idx.msk [tilespmem:v33+s5+$0x0], $0xffff  }
0x111: {  	v1 =	vsub.f32 v3, v1;
	v3 =	vmul.f32 v29, v21;
	v17 =	vmul.f32 v23, v17  }
0x112: {  	v55 =	vmul.f32 v28, v24;
	v13 =	vmul.f32 v13, v14;
	v0 =	vsub.f32 v10, v0  }
0x113: {  	v7 =	vsub.f32 v26, v7;
	v8 =	vsub.f32 v15, v8;
	v27 =	vmul.f32 v1, v27  }
0x114: {  	v58 =	vld.idx.msk [tilespmem:v25+s5+$0x0], $0xffff;
	v2 =	vsub.f32 v9, v2;
	v56 =	vadd.f32 v30, v34;
	v3 =	vmul.f32 v3, v29  }
0x115: {  	v6 =	vadd.f32 v13, v6;
	v1 =	vmul.f32 v27, v1;
	v13 =	vmul.f32 v0, v33;
	v16 =	vld.idx.msk [tilespmem:v16+s5+$0x0], $0xffff  }
0x116: {  	v22 =	vmul.f32 v7, v22;
	v5 =	vadd.f32 v55, v5;
	v14 =	vmul.f32 v20, v31  }
0x117: {  	v12 =	vmul.f32 v11, v12;
	v1 =	vadd.f32 v1, v4;
	v0 =	vmul.f32 v13, v0  }
0x118: {  	s23 =	sadd.s32 $0x1, s23;
	v6 =	vadd.f32 v18, v6;
	v59 =	vmul.f32 v22, v7;
	v5 =	vadd.f32 v19, v5  }
0x119: {  	p0 =	sne.s32 s23, $0x8;
	v60 =	vmul.f32 v14, v20;
	v0 =	vadd.f32 v0, v1;
	v1 =	vmul.f32 v12, v11  }
.Ltmp2:
0x11a: {  	v3 =	vadd.f32 v3, v56;
	v61 =	vmul.f32 v8, v58;
	v62 =	vmul.f32 v2, v16;
	(pc) =	sbr.rel @p0 .LBB2_2-.Ltmp2, $4  }
0x11b: {  	v57 =	vmul.f32 v35, v32;
	v4 =	vadd.f32 v59, v6;
	v0 =	vadd.f32 v1, v0  }
0x11c: {  	v8 =	vmul.f32 v61, v8;
	v5 =	vadd.f32 v60, v5;
	v63 =	vmul.f32 v62, v2  }
0x11d: {  	v12 =	vadd.f32 v57, v3;
	v1 =	vadd.f32 v17, v0  }
0x11e: {  	v2 =	vadd.f32 v8, v4;
	v0 =	vadd.f32 v63, v5  }
0x11f: {  	_ =	swait.ge [sflag:s17], $0x4000  }
0x120: {  	[sflag:s17] =	ssyncset.done $0x0  }
0x121: {  	v0 =	vadd.f32 v1, v0;
	v63 =	vadd.f32 v12, v2;
	[sflag:s17] =	ssyncadd.s32 $0xFFFFC000  }
0x122: {  	_ =	swait.ge [sflag:s18], $0x4000  }
0x123: {  	s22 =	sadd.s32 $0x1, s22;
	v0 =	vadd.f32 v63, v0;
	[sflag:s18] =	ssyncset.done $0x0  }
0x124: {  	p0 =	sne.s32 s22, s11;
	[sflag:s18] =	ssyncadd.s32 $0xFFFFC000  }
.Ltmp3:
0x125: {  	[tilespmem:$0x10100] =	vst v0;
	(pc) =	sbr.rel @p0 .LBB2_1-.Ltmp3, $4  }
0x126: {  	[hbm4b:s10+s5] =	stream.linear.scatter [tilespmem:s21], [sflag:$0x5], $0x80, $0x38;
	[tilespmem:$0x10180] =	vst v63  }
0x127: {  	_ =	swait.ge [sflag:s12], $0x80  }
0x128: {  	[sflag:s12] =	ssyncset.done $0x0  }
0x129: {  	[sflag:s12] =	ssyncadd.s32 $0xFFFFFF80  }
0x12a: {  	_ =	sfence.sel $0x180000  }
0x12b: {  	[bflag:$0x0] =	sbarrier.arrive $0xFFFF  }
0x12c: {  	p0 =	sne.s32 s3, $0x0;
	_ =	strace $0x90000047  }
0x12d: {  	s0 =	sadd.s32 @!p0 $0x100000, s0;
	[bflag:$0x2] =	sbarrier.arrive $0xFFFF  }
0x12e: {  	[sflag:s0] =	ssyncadd.tile.s32 @!p0 $0x1;
	_ =	shalt  }
.Lfunc_end2:
_tile_overlayer_lowered:
.L_overlay_start_2:
0x12f: {  	(tag) =	ssettag $0x2  }
0x130: {  	s0 =	rddreg [dreg:$0x0];
	s2 =	stileid.u32  }
0x131: {  	s1 =	rddreg [dreg:$0x1];
	p0 =	sne.s32 s2, $0x0  }
0x132: {  	s3 =	rddreg [dreg:$0x2];
	[bflag:$0x3] =	sbarrier.arrive $0xFFFF;
	s2 =	simm.s32 @!p0 $0x1C05  }
0x133: {  	[timem:s3], [sflag:s2] =	dma.local @!p0 [hbm:s0], s1  }
0x134: {  	s0 =	simm.s32 @!p0 $0x5  }
0x135: {  	_ =	swait.ge @!p0 [sflag:s0], s1  }
0x136: {  	s1 =	ssub.s32 @!p0 $0x0, s1;
	[sflag:s0] =	ssyncset.done @!p0 $0x0  }
0x137: {  	[sflag:s0] =	ssyncadd.s32 @!p0 s1  }
0x138: {  	[bflag:$0x3] =	sbarrier.arrive $0xFFFF  }
0x139: {  	_ =	shalt  }

</sc_bundles>
